<compile_context>
chip_gen: v7x
topology: tpu7x:2x2x1
jax: 0.10.2.dev20260603
libtpu: 0.0.44.dev20260713+nightly
codegen_flags: <defaults>
</compile_context>

<pallas_src>
import functools

import jax
import jax.numpy as jnp
from jax import lax
from jax.experimental import pallas as pl
from jax.experimental.pallas import tpu as pltpu
from jax.experimental.pallas import tpu_sc as plsc

N_LINKS = 100000
N_TIMES = 288
BATCH = 16384
D_LINK = 32
D_TIME = 8
D_DRIVER = 16
DP = 128

NUM_WORKERS = 32
B_PER_W = BATCH // NUM_WORKERS
CHUNK = 128
N_CHUNKS = B_PER_W // CHUNK
LANES = 16

RC = 8192
RG = (N_LINKS + RC - 1) // RC


def _repack_kernel(ltT, dtT, ttT, out):
    i = pl.program_id(0)
    dims = (((0,), (0,)), ((), ()))
    p1 = jnp.eye(D_LINK, DP, 0, dtype=jnp.float32)
    p2 = jnp.eye(D_DRIVER, DP, D_LINK + D_TIME, dtype=jnp.float32)
    out[...] = (
        jax.lax.dot_general(ltT[...], p1, dims,
                            preferred_element_type=jnp.float32)
        + jax.lax.dot_general(dtT[...], p2, dims,
                              preferred_element_type=jnp.float32))

    @pl.when(i == 0)
    def _():
        p3 = jnp.eye(D_TIME, D_TIME, 0, dtype=jnp.float32)
        out[0:N_TIMES, D_LINK:D_LINK + D_TIME] = (
            jax.lax.dot_general(ttT[...], p3, dims,
                                preferred_element_type=jnp.float32))


def _tc_repack(ltT, dtT, ttT):
    return pl.pallas_call(
        _repack_kernel,
        grid=(RG,),
        in_specs=[
            pl.BlockSpec((D_LINK, RC), lambda i: (0, i)),
            pl.BlockSpec((D_DRIVER, RC), lambda i: (0, i)),
            pl.BlockSpec((D_TIME, N_TIMES), lambda i: (0, 0)),
        ],
        out_specs=pl.BlockSpec((RC, DP), lambda i: (i, 0)),
        out_shape=jax.ShapeDtypeStruct((N_LINKS, DP), jnp.float32),
    )(ltT, dtT, ttT)


def _sc_gather_kernel(link_idx, time_idx, driver_idx, bigP, cross_flat,
                      g_out, cv_out,
                      lidx_v, tidx_v, didx_v, cidx_v,
                      glb0, gdb0, gtb0, glb1, gdb1, gtb1,
                      cv_v, sem, csem):
    wid = lax.axis_index("s") * 2 + lax.axis_index("c")
    base = wid * B_PER_W

    pltpu.sync_copy(link_idx.at[pl.ds(base, B_PER_W)], lidx_v)
    pltpu.sync_copy(time_idx.at[pl.ds(base, B_PER_W)], tidx_v)
    pltpu.sync_copy(driver_idx.at[pl.ds(base, B_PER_W)], didx_v)

    for i in range(B_PER_W // LANES):
        sl = pl.ds(i * LANES, LANES)
        cidx_v[sl] = lidx_v[sl] * N_TIMES + tidx_v[sl]

    ccopies = []
    for j in range(N_CHUNKS):
        isl = pl.ds(j * CHUNK, CHUNK)
        ccopies.append(pltpu.async_copy(
            cross_flat.at[cidx_v.at[isl]], cv_v.at[isl], csem))

    sets = ((glb0, gdb0, gtb0), (glb1, gdb1, gtb1))

    def fire(q):
        isl = pl.ds(q * CHUNK, CHUNK)
        return [
            pltpu.async_copy(bigP.at[idx_v.at[isl]], buf, sem)
            for idx_v, buf in zip((lidx_v, didx_v, tidx_v), sets[q % 2])
        ]

    pend = fire(0)
    for q in range(N_CHUNKS):
        for c in pend:
            c.wait()
        if q + 1 < N_CHUNKS:
            pend = fire(q + 1)
        glbuf, gdbuf, gtbuf = sets[q % 2]
        lane = lax.broadcasted_iota(jnp.int32, (LANES,), 0)

        def merge_row(r, _):
            a = gtbuf[r, pl.ds(D_LINK, LANES)]
            b = gdbuf[r, pl.ds(D_LINK, LANES)]
            glbuf[r, pl.ds(D_LINK, LANES)] = jnp.where(lane < D_TIME, a, b)
            glbuf[r, pl.ds(D_LINK + LANES, LANES)] = (
                gdbuf[r, pl.ds(D_LINK + LANES, LANES)])
            return _

        lax.fori_loop(0, CHUNK, merge_row, None)
        pltpu.sync_copy(glbuf, g_out.at[pl.ds(base + q * CHUNK, CHUNK)])

    for c in ccopies:
        c.wait()
    pltpu.sync_copy(cv_v, cv_out.at[pl.ds(base, B_PER_W)])


_sc_gather = pl.kernel(
    _sc_gather_kernel,
    out_type=(
        jax.ShapeDtypeStruct((BATCH, DP), jnp.float32),
        jax.ShapeDtypeStruct((BATCH,), jnp.float32),
    ),
    mesh=plsc.VectorSubcoreMesh(core_axis_name="c", subcore_axis_name="s"),
    scratch_types=[
        pltpu.VMEM((B_PER_W,), jnp.int32),
        pltpu.VMEM((B_PER_W,), jnp.int32),
        pltpu.VMEM((B_PER_W,), jnp.int32),
        pltpu.VMEM((B_PER_W,), jnp.int32),
        pltpu.VMEM((CHUNK, DP), jnp.float32),
        pltpu.VMEM((CHUNK, DP), jnp.float32),
        pltpu.VMEM((CHUNK, DP), jnp.float32),
        pltpu.VMEM((CHUNK, DP), jnp.float32),
        pltpu.VMEM((CHUNK, DP), jnp.float32),
        pltpu.VMEM((CHUNK, DP), jnp.float32),
        pltpu.VMEM((B_PER_W,), jnp.float32),
        pltpu.SemaphoreType.DMA,
        pltpu.SemaphoreType.DMA,
    ],
    compiler_params=pltpu.CompilerParams(use_tc_tiling_on_sc=True),
)


BB = 4096


def _tc_mlp_kernel(g, cv, w1, b1, w2, b2, w3, b3, out):
    x = g[...][:, 0:D_LINK + D_TIME + D_DRIVER]
    h = jnp.dot(x, w1[...], preferred_element_type=jnp.float32)
    h = jnp.maximum(h + b1[...], 0.0)
    h2 = jnp.dot(h, w2[...], preferred_element_type=jnp.float32)
    h2 = jnp.maximum(h2 + b2[...], 0.0)
    y = jnp.sum(h2 * w3[...], axis=1)
    out[...] = y + b3[...] + cv[...]


def _tc_mlp(g, cv, w1, b1, w2, b2, w3, b3):
    grid = (BATCH // BB,)
    row = pl.BlockSpec((BB, DP), lambda i: (i, 0))
    vec = pl.BlockSpec((BB,), lambda i: (i,))
    full = lambda a: pl.BlockSpec(a.shape, lambda i: (0,) * a.ndim)
    return pl.pallas_call(
        _tc_mlp_kernel,
        grid=grid,
        in_specs=[
            row, vec,
            full(w1), full(b1), full(w2), full(b2), full(w3), full(b3),
        ],
        out_specs=vec,
        out_shape=jax.ShapeDtypeStruct((BATCH,), jnp.float32),
    )(g, cv, w1, b1, w2, b2, w3, b3)


def kernel(link_idx, time_idx, driver_idx, link_table, time_table,
           driver_table, cross_table, W1, b1, W2, b2, W3, b3):
    bigP = _tc_repack(link_table.T, driver_table.T, time_table.T)
    g, cv = _sc_gather(
        link_idx.astype(jnp.int32), time_idx.astype(jnp.int32),
        driver_idx.astype(jnp.int32), bigP, cross_table.reshape(-1))
    y = _tc_mlp(g, cv, W1, b1.reshape(1, -1),
                W2, b2.reshape(1, -1), W3.reshape(1, -1), b3)
    return y

# --- scband reference (transcript-rebuilt; emitter-appended) ---
"""Pipeline reference for scband-co-driver-simple-40853728920158 (READ-ONLY COPY).

The authoritative reference and input builder live on the scoring server;
editing this copy changes nothing except your own understanding.
"""

import jax, jax.numpy as jnp
import numpy as np

N_LINKS = 100000
N_TIMES = 288
N_DRIVERS = 100000
D_LINK = 32
D_TIME = 8
D_DRIVER = 16
BATCH = 16384


def setup_inputs(seed: int = 0) -> dict:
    key = jax.random.key(seed)
    ks = jax.random.split(key, 12)
    link_idx = jax.random.randint(ks[0], (BATCH,), 0, N_LINKS, dtype=jnp.int64 if jax.config.jax_enable_x64 else jnp.int32)
    time_idx = jax.random.randint(ks[1], (BATCH,), 0, N_TIMES, dtype=jnp.int64 if jax.config.jax_enable_x64 else jnp.int32)
    driver_idx = jax.random.randint(ks[2], (BATCH,), 0, N_DRIVERS, dtype=jnp.int64 if jax.config.jax_enable_x64 else jnp.int32)
    link_table = jax.random.normal(ks[3], (N_LINKS, D_LINK), dtype=jnp.float32) * 0.05
    time_table = jax.random.normal(ks[4], (N_TIMES, D_TIME), dtype=jnp.float32) * 0.05
    driver_table = jax.random.normal(ks[5], (N_DRIVERS, D_DRIVER), dtype=jnp.float32) * 0.05
    cross_table = jax.random.normal(ks[6], (N_LINKS * N_TIMES, 1), dtype=jnp.float32) * 0.01
    in_dim = D_LINK + D_TIME + D_DRIVER
    W1 = jax.random.normal(ks[7], (in_dim, 128), dtype=jnp.float32) * (1.0 / np.sqrt(in_dim))
    b1 = jnp.zeros((128,), dtype=jnp.float32)
    W2 = jax.random.normal(ks[8], (128, 64), dtype=jnp.float32) * (1.0 / np.sqrt(128))
    b2 = jnp.zeros((64,), dtype=jnp.float32)
    W3 = jax.random.normal(ks[9], (64, 1), dtype=jnp.float32) * (1.0 / np.sqrt(64))
    b3 = jnp.zeros((1,), dtype=jnp.float32)
    return {
        "link_idx": link_idx,
        "time_idx": time_idx,
        "driver_idx": driver_idx,
        "link_table": link_table,
        "time_table": time_table,
        "driver_table": driver_table,
        "cross_table": cross_table,
        "W1": W1, "b1": b1,
        "W2": W2, "b2": b2,
        "W3": W3, "b3": b3,
    }


def reference(link_idx, time_idx, driver_idx, link_table, time_table, driver_table, cross_table, W1, b1, W2, b2, W3, b3):
    le = jnp.take(link_table, link_idx, axis=0)
    te = jnp.take(time_table, time_idx, axis=0)
    de = jnp.take(driver_table, driver_idx, axis=0)
    x = jnp.concatenate([le, te, de], axis=-1)
    h = jax.nn.relu(x @ W1 + b1)
    h = jax.nn.relu(h @ W2 + b2)
    y = (h @ W3 + b3).squeeze(-1)
    cross_idx = link_idx * N_TIMES + time_idx
    y = y + jnp.take(cross_table, cross_idx, axis=0).squeeze(-1)
    return y

if __name__ == "__main__":
    import jax
    _d = setup_inputs()
    print(jax.jit(kernel)(*tuple(_d.values())))

</pallas_src>

<mosaic_0001>
#map = affine_map<(d0, d1) -> (0)>
#map1 = affine_map<(d0, d1) -> (0, 0)>
module attributes {stable_mosaic.version = 14 : i64} {
  func.func @_sc_gather_kernel(%arg0: i32, %arg1: i32, %arg2: memref<16384xi32, #tpu.memory_space<hbm>>, %arg3: memref<16384xi32, #tpu.memory_space<hbm>>, %arg4: memref<16384xi32, #tpu.memory_space<hbm>>, %arg5: memref<100000x128xf32, #tpu.memory_space<hbm>>, %arg6: memref<28800000xf32, #tpu.memory_space<hbm>>, %arg7: memref<16384x128xf32, #tpu.memory_space<hbm>>, %arg8: memref<16384xf32, #tpu.memory_space<hbm>>, %arg9: memref<512xi32, #tpu.memory_space<vmem>>, %arg10: memref<512xi32, #tpu.memory_space<vmem>>, %arg11: memref<512xi32, #tpu.memory_space<vmem>>, %arg12: memref<512xi32, #tpu.memory_space<vmem>>, %arg13: memref<128x128xf32, #tpu.memory_space<vmem>>, %arg14: memref<128x128xf32, #tpu.memory_space<vmem>>, %arg15: memref<128x128xf32, #tpu.memory_space<vmem>>, %arg16: memref<128x128xf32, #tpu.memory_space<vmem>>, %arg17: memref<128x128xf32, #tpu.memory_space<vmem>>, %arg18: memref<128x128xf32, #tpu.memory_space<vmem>>, %arg19: memref<512xf32, #tpu.memory_space<vmem>>, %arg20: memref<!tpu.dma_semaphore, #tpu.memory_space<semaphore_mem>>, %arg21: memref<!tpu.dma_semaphore, #tpu.memory_space<semaphore_mem>>) attributes {dimension_semantics = [#tpu.dimension_semantics<core_parallel>, #tpu.dimension_semantics<subcore_parallel>], iteration_bounds = array<i64: 2, 16>, scalar_prefetch = 0 : i64, scratch_operands = 13 : i64, tpu.core_type = #tpu.core_type<sc_vector_subcore>, window_params = [{transform_indices = #map}, {transform_indices = #map}, {transform_indices = #map}, {transform_indices = #map1}, {transform_indices = #map}, {transform_indices = #map1}, {transform_indices = #map}]} {
    %mul3A = arith.constant 2 : i32
    %mul3A_0 = arith.muli %arg1, %mul3A : i32
    %add3A = arith.addi %mul3A_0, %arg0 : i32
    %mul3A_1 = arith.constant 512 : i32
    %mul3A_2 = arith.muli %add3A, %mul3A_1 : i32
    "tpu.region"() ({
      %run_scoped3A = tpu.sem_alloc : memref<!tpu.dma_semaphore, #tpu.memory_space<semaphore_mem>>
      %dma_start3A_645 = tpu.memref_slice %arg2[%mul3A_2] : memref<16384xi32, #tpu.memory_space<hbm>> -> memref<512xi32, #tpu.memory_space<hbm>>
      %dma_start3A_646 = tpu.memref_slice %arg2[%mul3A_2] : memref<16384xi32, #tpu.memory_space<hbm>> -> memref<512xi32, #tpu.memory_space<hbm>>
      tpu.enqueue_dma source(%dma_start3A_646 : memref<512xi32, #tpu.memory_space<hbm>>) target(%arg9 : memref<512xi32, #tpu.memory_space<vmem>>) target_semaphore(%run_scoped3A : memref<!tpu.dma_semaphore, #tpu.memory_space<semaphore_mem>>)
      %dma_wait3A_647 = tpu.memref_slice %arg2[%mul3A_2] : memref<16384xi32, #tpu.memory_space<hbm>> -> memref<512xi32, #tpu.memory_space<hbm>>
      %dma_wait3A_648 = tpu.memref_slice %arg2[%mul3A_2] : memref<16384xi32, #tpu.memory_space<hbm>> -> memref<512xi32, #tpu.memory_space<hbm>>
      tpu.wait_dma2 semaphore(%run_scoped3A : memref<!tpu.dma_semaphore, #tpu.memory_space<semaphore_mem>>) src(%dma_wait3A_648 : memref<512xi32, #tpu.memory_space<hbm>>) dst(%arg9 : memref<512xi32, #tpu.memory_space<vmem>>)
      tpu.yield
    }) : () -> ()
    "tpu.region"() ({
      %run_scoped3A = tpu.sem_alloc : memref<!tpu.dma_semaphore, #tpu.memory_space<semaphore_mem>>
      %dma_start3A_645 = tpu.memref_slice %arg3[%mul3A_2] : memref<16384xi32, #tpu.memory_space<hbm>> -> memref<512xi32, #tpu.memory_space<hbm>>
      %dma_start3A_646 = tpu.memref_slice %arg3[%mul3A_2] : memref<16384xi32, #tpu.memory_space<hbm>> -> memref<512xi32, #tpu.memory_space<hbm>>
      tpu.enqueue_dma source(%dma_start3A_646 : memref<512xi32, #tpu.memory_space<hbm>>) target(%arg10 : memref<512xi32, #tpu.memory_space<vmem>>) target_semaphore(%run_scoped3A : memref<!tpu.dma_semaphore, #tpu.memory_space<semaphore_mem>>)
      %dma_wait3A_647 = tpu.memref_slice %arg3[%mul3A_2] : memref<16384xi32, #tpu.memory_space<hbm>> -> memref<512xi32, #tpu.memory_space<hbm>>
      %dma_wait3A_648 = tpu.memref_slice %arg3[%mul3A_2] : memref<16384xi32, #tpu.memory_space<hbm>> -> memref<512xi32, #tpu.memory_space<hbm>>
      tpu.wait_dma2 semaphore(%run_scoped3A : memref<!tpu.dma_semaphore, #tpu.memory_space<semaphore_mem>>) src(%dma_wait3A_648 : memref<512xi32, #tpu.memory_space<hbm>>) dst(%arg10 : memref<512xi32, #tpu.memory_space<vmem>>)
      tpu.yield
    }) : () -> ()
    "tpu.region"() ({
      %run_scoped3A = tpu.sem_alloc : memref<!tpu.dma_semaphore, #tpu.memory_space<semaphore_mem>>
      %dma_start3A_645 = tpu.memref_slice %arg4[%mul3A_2] : memref<16384xi32, #tpu.memory_space<hbm>> -> memref<512xi32, #tpu.memory_space<hbm>>
      %dma_start3A_646 = tpu.memref_slice %arg4[%mul3A_2] : memref<16384xi32, #tpu.memory_space<hbm>> -> memref<512xi32, #tpu.memory_space<hbm>>
      tpu.enqueue_dma source(%dma_start3A_646 : memref<512xi32, #tpu.memory_space<hbm>>) target(%arg11 : memref<512xi32, #tpu.memory_space<vmem>>) target_semaphore(%run_scoped3A : memref<!tpu.dma_semaphore, #tpu.memory_space<semaphore_mem>>)
      %dma_wait3A_647 = tpu.memref_slice %arg4[%mul3A_2] : memref<16384xi32, #tpu.memory_space<hbm>> -> memref<512xi32, #tpu.memory_space<hbm>>
      %dma_wait3A_648 = tpu.memref_slice %arg4[%mul3A_2] : memref<16384xi32, #tpu.memory_space<hbm>> -> memref<512xi32, #tpu.memory_space<hbm>>
      tpu.wait_dma2 semaphore(%run_scoped3A : memref<!tpu.dma_semaphore, #tpu.memory_space<semaphore_mem>>) src(%dma_wait3A_648 : memref<512xi32, #tpu.memory_space<hbm>>) dst(%arg11 : memref<512xi32, #tpu.memory_space<vmem>>)
      tpu.yield
    }) : () -> ()
    %get3A = arith.constant 0 : index
    %get3A_3 = tpu.vector_load %arg9[%get3A] {strides = array<i32>} : memref<512xi32, #tpu.memory_space<vmem>>, vector<16xi32>,
    %get3A_4 = vector.shape_cast %get3A_3 : vector<16xi32> to vector<16xi32>
    %mul3A_5 = arith.constant 288 : i32
    %mul3A_6 = vector.broadcast %mul3A_5 : i32 to vector<16xi32>
    %mul3A_7 = arith.muli %get3A_4, %mul3A_6 : vector<16xi32>
    %get3A_8 = arith.constant 0 : index
    %get3A_9 = tpu.vector_load %arg10[%get3A_8] {strides = array<i32>} : memref<512xi32, #tpu.memory_space<vmem>>, vector<16xi32>,
    %get3A_10 = vector.shape_cast %get3A_9 : vector<16xi32> to vector<16xi32>
    %add3A_11 = arith.addi %mul3A_7, %get3A_10 : vector<16xi32>
    %swap3A = arith.constant 0 : index
    %swap3A_12 = tpu.vector_load %arg12[%swap3A] {strides = array<i32>} : memref<512xi32, #tpu.memory_space<vmem>>, vector<16xi32>,
    %swap3A_13 = vector.shape_cast %swap3A_12 : vector<16xi32> to vector<16xi32>
    %swap3A_14 = vector.shape_cast %add3A_11 : vector<16xi32> to vector<16xi32>
    tpu.vector_store %arg12[%swap3A], %swap3A_14 {strides = array<i32>} : memref<512xi32, #tpu.memory_space<vmem>>, vector<16xi32>,
    %get3A_15 = arith.constant 16 : index
    %get3A_16 = tpu.vector_load %arg9[%get3A_15] {strides = array<i32>} : memref<512xi32, #tpu.memory_space<vmem>>, vector<16xi32>,
    %get3A_17 = vector.shape_cast %get3A_16 : vector<16xi32> to vector<16xi32>
    %mul3A_18 = arith.constant 288 : i32
    %mul3A_19 = vector.broadcast %mul3A_18 : i32 to vector<16xi32>
    %mul3A_20 = arith.muli %get3A_17, %mul3A_19 : vector<16xi32>
    %get3A_21 = arith.constant 16 : index
    %get3A_22 = tpu.vector_load %arg10[%get3A_21] {strides = array<i32>} : memref<512xi32, #tpu.memory_space<vmem>>, vector<16xi32>,
    %get3A_23 = vector.shape_cast %get3A_22 : vector<16xi32> to vector<16xi32>
    %add3A_24 = arith.addi %mul3A_20, %get3A_23 : vector<16xi32>
    %swap3A_25 = arith.constant 16 : index
    %swap3A_26 = tpu.vector_load %arg12[%swap3A_25] {strides = array<i32>} : memref<512xi32, #tpu.memory_space<vmem>>, vector<16xi32>,
    %swap3A_27 = vector.shape_cast %swap3A_26 : vector<16xi32> to vector<16xi32>
    %swap3A_28 = vector.shape_cast %add3A_24 : vector<16xi32> to vector<16xi32>
    tpu.vector_store %arg12[%swap3A_25], %swap3A_28 {strides = array<i32>} : memref<512xi32, #tpu.memory_space<vmem>>, vector<16xi32>,
    %get3A_29 = arith.constant 32 : index
    %get3A_30 = tpu.vector_load %arg9[%get3A_29] {strides = array<i32>} : memref<512xi32, #tpu.memory_space<vmem>>, vector<16xi32>,
    %get3A_31 = vector.shape_cast %get3A_30 : vector<16xi32> to vector<16xi32>
    %mul3A_32 = arith.constant 288 : i32
    %mul3A_33 = vector.broadcast %mul3A_32 : i32 to vector<16xi32>
    %mul3A_34 = arith.muli %get3A_31, %mul3A_33 : vector<16xi32>
    %get3A_35 = arith.constant 32 : index
    %get3A_36 = tpu.vector_load %arg10[%get3A_35] {strides = array<i32>} : memref<512xi32, #tpu.memory_space<vmem>>, vector<16xi32>,
    %get3A_37 = vector.shape_cast %get3A_36 : vector<16xi32> to vector<16xi32>
    %add3A_38 = arith.addi %mul3A_34, %get3A_37 : vector<16xi32>
    %swap3A_39 = arith.constant 32 : index
    %swap3A_40 = tpu.vector_load %arg12[%swap3A_39] {strides = array<i32>} : memref<512xi32, #tpu.memory_space<vmem>>, vector<16xi32>,
    %swap3A_41 = vector.shape_cast %swap3A_40 : vector<16xi32> to vector<16xi32>
    %swap3A_42 = vector.shape_cast %add3A_38 : vector<16xi32> to vector<16xi32>
    tpu.vector_store %arg12[%swap3A_39], %swap3A_42 {strides = array<i32>} : memref<512xi32, #tpu.memory_space<vmem>>, vector<16xi32>,
    %get3A_43 = arith.constant 48 : index
    %get3A_44 = tpu.vector_load %arg9[%get3A_43] {strides = array<i32>} : memref<512xi32, #tpu.memory_space<vmem>>, vector<16xi32>,
    %get3A_45 = vector.shape_cast %get3A_44 : vector<16xi32> to vector<16xi32>
    %mul3A_46 = arith.constant 288 : i32
    %mul3A_47 = vector.broadcast %mul3A_46 : i32 to vector<16xi32>
    %mul3A_48 = arith.muli %get3A_45, %mul3A_47 : vector<16xi32>
    %get3A_49 = arith.constant 48 : index
    %get3A_50 = tpu.vector_load %arg10[%get3A_49] {strides = array<i32>} : memref<512xi32, #tpu.memory_space<vmem>>, vector<16xi32>,
    %get3A_51 = vector.shape_cast %get3A_50 : vector<16xi32> to vector<16xi32>
    %add3A_52 = arith.addi %mul3A_48, %get3A_51 : vector<16xi32>
    %swap3A_53 = arith.constant 48 : index
    %swap3A_54 = tpu.vector_load %arg12[%swap3A_53] {strides = array<i32>} : memref<512xi32, #tpu.memory_space<vmem>>, vector<16xi32>,
    %swap3A_55 = vector.shape_cast %swap3A_54 : vector<16xi32> to vector<16xi32>
    %swap3A_56 = vector.shape_cast %add3A_52 : vector<16xi32> to vector<16xi32>
    tpu.vector_store %arg12[%swap3A_53], %swap3A_56 {strides = array<i32>} : memref<512xi32, #tpu.memory_space<vmem>>, vector<16xi32>,
    %get3A_57 = arith.constant 64 : index
    %get3A_58 = tpu.vector_load %arg9[%get3A_57] {strides = array<i32>} : memref<512xi32, #tpu.memory_space<vmem>>, vector<16xi32>,
    %get3A_59 = vector.shape_cast %get3A_58 : vector<16xi32> to vector<16xi32>
    %mul3A_60 = arith.constant 288 : i32
    %mul3A_61 = vector.broadcast %mul3A_60 : i32 to vector<16xi32>
    %mul3A_62 = arith.muli %get3A_59, %mul3A_61 : vector<16xi32>
    %get3A_63 = arith.constant 64 : index
    %get3A_64 = tpu.vector_load %arg10[%get3A_63] {strides = array<i32>} : memref<512xi32, #tpu.memory_space<vmem>>, vector<16xi32>,
    %get3A_65 = vector.shape_cast %get3A_64 : vector<16xi32> to vector<16xi32>
    %add3A_66 = arith.addi %mul3A_62, %get3A_65 : vector<16xi32>
    %swap3A_67 = arith.constant 64 : index
    %swap3A_68 = tpu.vector_load %arg12[%swap3A_67] {strides = array<i32>} : memref<512xi32, #tpu.memory_space<vmem>>, vector<16xi32>,
    %swap3A_69 = vector.shape_cast %swap3A_68 : vector<16xi32> to vector<16xi32>
    %swap3A_70 = vector.shape_cast %add3A_66 : vector<16xi32> to vector<16xi32>
    tpu.vector_store %arg12[%swap3A_67], %swap3A_70 {strides = array<i32>} : memref<512xi32, #tpu.memory_space<vmem>>, vector<16xi32>,
    %get3A_71 = arith.constant 80 : index
    %get3A_72 = tpu.vector_load %arg9[%get3A_71] {strides = array<i32>} : memref<512xi32, #tpu.memory_space<vmem>>, vector<16xi32>,
    %get3A_73 = vector.shape_cast %get3A_72 : vector<16xi32> to vector<16xi32>
    %mul3A_74 = arith.constant 288 : i32
    %mul3A_75 = vector.broadcast %mul3A_74 : i32 to vector<16xi32>
    %mul3A_76 = arith.muli %get3A_73, %mul3A_75 : vector<16xi32>
    %get3A_77 = arith.constant 80 : index
    %get3A_78 = tpu.vector_load %arg10[%get3A_77] {strides = array<i32>} : memref<512xi32, #tpu.memory_space<vmem>>, vector<16xi32>,
    %get3A_79 = vector.shape_cast %get3A_78 : vector<16xi32> to vector<16xi32>
    %add3A_80 = arith.addi %mul3A_76, %get3A_79 : vector<16xi32>
    %swap3A_81 = arith.constant 80 : index
    %swap3A_82 = tpu.vector_load %arg12[%swap3A_81] {strides = array<i32>} : memref<512xi32, #tpu.memory_space<vmem>>, vector<16xi32>,
    %swap3A_83 = vector.shape_cast %swap3A_82 : vector<16xi32> to vector<16xi32>
    %swap3A_84 = vector.shape_cast %add3A_80 : vector<16xi32> to vector<16xi32>
    tpu.vector_store %arg12[%swap3A_81], %swap3A_84 {strides = array<i32>} : memref<512xi32, #tpu.memory_space<vmem>>, vector<16xi32>,
    %get3A_85 = arith.constant 96 : index
    %get3A_86 = tpu.vector_load %arg9[%get3A_85] {strides = array<i32>} : memref<512xi32, #tpu.memory_space<vmem>>, vector<16xi32>,
    %get3A_87 = vector.shape_cast %get3A_86 : vector<16xi32> to vector<16xi32>
    %mul3A_88 = arith.constant 288 : i32
    %mul3A_89 = vector.broadcast %mul3A_88 : i32 to vector<16xi32>
    %mul3A_90 = arith.muli %get3A_87, %mul3A_89 : vector<16xi32>
    %get3A_91 = arith.constant 96 : index
    %get3A_92 = tpu.vector_load %arg10[%get3A_91] {strides = array<i32>} : memref<512xi32, #tpu.memory_space<vmem>>, vector<16xi32>,
    %get3A_93 = vector.shape_cast %get3A_92 : vector<16xi32> to vector<16xi32>
    %add3A_94 = arith.addi %mul3A_90, %get3A_93 : vector<16xi32>
    %swap3A_95 = arith.constant 96 : index
    %swap3A_96 = tpu.vector_load %arg12[%swap3A_95] {strides = array<i32>} : memref<512xi32, #tpu.memory_space<vmem>>, vector<16xi32>,
    %swap3A_97 = vector.shape_cast %swap3A_96 : vector<16xi32> to vector<16xi32>
    %swap3A_98 = vector.shape_cast %add3A_94 : vector<16xi32> to vector<16xi32>
    tpu.vector_store %arg12[%swap3A_95], %swap3A_98 {strides = array<i32>} : memref<512xi32, #tpu.memory_space<vmem>>, vector<16xi32>,
    %get3A_99 = arith.constant 112 : index
    %get3A_100 = tpu.vector_load %arg9[%get3A_99] {strides = array<i32>} : memref<512xi32, #tpu.memory_space<vmem>>, vector<16xi32>,
    %get3A_101 = vector.shape_cast %get3A_100 : vector<16xi32> to vector<16xi32>
    %mul3A_102 = arith.constant 288 : i32
    %mul3A_103 = vector.broadcast %mul3A_102 : i32 to vector<16xi32>
    %mul3A_104 = arith.muli %get3A_101, %mul3A_103 : vector<16xi32>
    %get3A_105 = arith.constant 112 : index
    %get3A_106 = tpu.vector_load %arg10[%get3A_105] {strides = array<i32>} : memref<512xi32, #tpu.memory_space<vmem>>, vector<16xi32>,
    %get3A_107 = vector.shape_cast %get3A_106 : vector<16xi32> to vector<16xi32>
    %add3A_108 = arith.addi %mul3A_104, %get3A_107 : vector<16xi32>
    %swap3A_109 = arith.constant 112 : index
    %swap3A_110 = tpu.vector_load %arg12[%swap3A_109] {strides = array<i32>} : memref<512xi32, #tpu.memory_space<vmem>>, vector<16xi32>,
    %swap3A_111 = vector.shape_cast %swap3A_110 : vector<16xi32> to vector<16xi32>
    %swap3A_112 = vector.shape_cast %add3A_108 : vector<16xi32> to vector<16xi32>
    tpu.vector_store %arg12[%swap3A_109], %swap3A_112 {strides = array<i32>} : memref<512xi32, #tpu.memory_space<vmem>>, vector<16xi32>,
    %get3A_113 = arith.constant 128 : index
    %get3A_114 = tpu.vector_load %arg9[%get3A_113] {strides = array<i32>} : memref<512xi32, #tpu.memory_space<vmem>>, vector<16xi32>,
    %get3A_115 = vector.shape_cast %get3A_114 : vector<16xi32> to vector<16xi32>
    %mul3A_116 = arith.constant 288 : i32
    %mul3A_117 = vector.broadcast %mul3A_116 : i32 to vector<16xi32>
    %mul3A_118 = arith.muli %get3A_115, %mul3A_117 : vector<16xi32>
    %get3A_119 = arith.constant 128 : index
    %get3A_120 = tpu.vector_load %arg10[%get3A_119] {strides = array<i32>} : memref<512xi32, #tpu.memory_space<vmem>>, vector<16xi32>,
    %get3A_121 = vector.shape_cast %get3A_120 : vector<16xi32> to vector<16xi32>
    %add3A_122 = arith.addi %mul3A_118, %get3A_121 : vector<16xi32>
    %swap3A_123 = arith.constant 128 : index
    %swap3A_124 = tpu.vector_load %arg12[%swap3A_123] {strides = array<i32>} : memref<512xi32, #tpu.memory_space<vmem>>, vector<16xi32>,
    %swap3A_125 = vector.shape_cast %swap3A_124 : vector<16xi32> to vector<16xi32>
    %swap3A_126 = vector.shape_cast %add3A_122 : vector<16xi32> to vector<16xi32>
    tpu.vector_store %arg12[%swap3A_123], %swap3A_126 {strides = array<i32>} : memref<512xi32, #tpu.memory_space<vmem>>, vector<16xi32>,
    %get3A_127 = arith.constant 144 : index
    %get3A_128 = tpu.vector_load %arg9[%get3A_127] {strides = array<i32>} : memref<512xi32, #tpu.memory_space<vmem>>, vector<16xi32>,
    %get3A_129 = vector.shape_cast %get3A_128 : vector<16xi32> to vector<16xi32>
    %mul3A_130 = arith.constant 288 : i32
    %mul3A_131 = vector.broadcast %mul3A_130 : i32 to vector<16xi32>
    %mul3A_132 = arith.muli %get3A_129, %mul3A_131 : vector<16xi32>
    %get3A_133 = arith.constant 144 : index
    %get3A_134 = tpu.vector_load %arg10[%get3A_133] {strides = array<i32>} : memref<512xi32, #tpu.memory_space<vmem>>, vector<16xi32>,
    %get3A_135 = vector.shape_cast %get3A_134 : vector<16xi32> to vector<16xi32>
    %add3A_136 = arith.addi %mul3A_132, %get3A_135 : vector<16xi32>
    %swap3A_137 = arith.constant 144 : index
    %swap3A_138 = tpu.vector_load %arg12[%swap3A_137] {strides = array<i32>} : memref<512xi32, #tpu.memory_space<vmem>>, vector<16xi32>,
    %swap3A_139 = vector.shape_cast %swap3A_138 : vector<16xi32> to vector<16xi32>
    %swap3A_140 = vector.shape_cast %add3A_136 : vector<16xi32> to vector<16xi32>
    tpu.vector_store %arg12[%swap3A_137], %swap3A_140 {strides = array<i32>} : memref<512xi32, #tpu.memory_space<vmem>>, vector<16xi32>,
    %get3A_141 = arith.constant 160 : index
    %get3A_142 = tpu.vector_load %arg9[%get3A_141] {strides = array<i32>} : memref<512xi32, #tpu.memory_space<vmem>>, vector<16xi32>,
    %get3A_143 = vector.shape_cast %get3A_142 : vector<16xi32> to vector<16xi32>
    %mul3A_144 = arith.constant 288 : i32
    %mul3A_145 = vector.broadcast %mul3A_144 : i32 to vector<16xi32>
    %mul3A_146 = arith.muli %get3A_143, %mul3A_145 : vector<16xi32>
    %get3A_147 = arith.constant 160 : index
    %get3A_148 = tpu.vector_load %arg10[%get3A_147] {strides = array<i32>} : memref<512xi32, #tpu.memory_space<vmem>>, vector<16xi32>,
    %get3A_149 = vector.shape_cast %get3A_148 : vector<16xi32> to vector<16xi32>
    %add3A_150 = arith.addi %mul3A_146, %get3A_149 : vector<16xi32>
    %swap3A_151 = arith.constant 160 : index
    %swap3A_152 = tpu.vector_load %arg12[%swap3A_151] {strides = array<i32>} : memref<512xi32, #tpu.memory_space<vmem>>, vector<16xi32>,
    %swap3A_153 = vector.shape_cast %swap3A_152 : vector<16xi32> to vector<16xi32>
    %swap3A_154 = vector.shape_cast %add3A_150 : vector<16xi32> to vector<16xi32>
    tpu.vector_store %arg12[%swap3A_151], %swap3A_154 {strides = array<i32>} : memref<512xi32, #tpu.memory_space<vmem>>, vector<16xi32>,
    %get3A_155 = arith.constant 176 : index
    %get3A_156 = tpu.vector_load %arg9[%get3A_155] {strides = array<i32>} : memref<512xi32, #tpu.memory_space<vmem>>, vector<16xi32>,
    %get3A_157 = vector.shape_cast %get3A_156 : vector<16xi32> to vector<16xi32>
    %mul3A_158 = arith.constant 288 : i32
    %mul3A_159 = vector.broadcast %mul3A_158 : i32 to vector<16xi32>
    %mul3A_160 = arith.muli %get3A_157, %mul3A_159 : vector<16xi32>
    %get3A_161 = arith.constant 176 : index
    %get3A_162 = tpu.vector_load %arg10[%get3A_161] {strides = array<i32>} : memref<512xi32, #tpu.memory_space<vmem>>, vector<16xi32>,
    %get3A_163 = vector.shape_cast %get3A_162 : vector<16xi32> to vector<16xi32>
    %add3A_164 = arith.addi %mul3A_160, %get3A_163 : vector<16xi32>
    %swap3A_165 = arith.constant 176 : index
    %swap3A_166 = tpu.vector_load %arg12[%swap3A_165] {strides = array<i32>} : memref<512xi32, #tpu.memory_space<vmem>>, vector<16xi32>,
    %swap3A_167 = vector.shape_cast %swap3A_166 : vector<16xi32> to vector<16xi32>
    %swap3A_168 = vector.shape_cast %add3A_164 : vector<16xi32> to vector<16xi32>
    tpu.vector_store %arg12[%swap3A_165], %swap3A_168 {strides = array<i32>} : memref<512xi32, #tpu.memory_space<vmem>>, vector<16xi32>,
    %get3A_169 = arith.constant 192 : index
    %get3A_170 = tpu.vector_load %arg9[%get3A_169] {strides = array<i32>} : memref<512xi32, #tpu.memory_space<vmem>>, vector<16xi32>,
    %get3A_171 = vector.shape_cast %get3A_170 : vector<16xi32> to vector<16xi32>
    %mul3A_172 = arith.constant 288 : i32
    %mul3A_173 = vector.broadcast %mul3A_172 : i32 to vector<16xi32>
    %mul3A_174 = arith.muli %get3A_171, %mul3A_173 : vector<16xi32>
    %get3A_175 = arith.constant 192 : index
    %get3A_176 = tpu.vector_load %arg10[%get3A_175] {strides = array<i32>} : memref<512xi32, #tpu.memory_space<vmem>>, vector<16xi32>,
    %get3A_177 = vector.shape_cast %get3A_176 : vector<16xi32> to vector<16xi32>
    %add3A_178 = arith.addi %mul3A_174, %get3A_177 : vector<16xi32>
    %swap3A_179 = arith.constant 192 : index
    %swap3A_180 = tpu.vector_load %arg12[%swap3A_179] {strides = array<i32>} : memref<512xi32, #tpu.memory_space<vmem>>, vector<16xi32>,
    %swap3A_181 = vector.shape_cast %swap3A_180 : vector<16xi32> to vector<16xi32>
    %swap3A_182 = vector.shape_cast %add3A_178 : vector<16xi32> to vector<16xi32>
    tpu.vector_store %arg12[%swap3A_179], %swap3A_182 {strides = array<i32>} : memref<512xi32, #tpu.memory_space<vmem>>, vector<16xi32>,
    %get3A_183 = arith.constant 208 : index
    %get3A_184 = tpu.vector_load %arg9[%get3A_183] {strides = array<i32>} : memref<512xi32, #tpu.memory_space<vmem>>, vector<16xi32>,
    %get3A_185 = vector.shape_cast %get3A_184 : vector<16xi32> to vector<16xi32>
    %mul3A_186 = arith.constant 288 : i32
    %mul3A_187 = vector.broadcast %mul3A_186 : i32 to vector<16xi32>
    %mul3A_188 = arith.muli %get3A_185, %mul3A_187 : vector<16xi32>
    %get3A_189 = arith.constant 208 : index
    %get3A_190 = tpu.vector_load %arg10[%get3A_189] {strides = array<i32>} : memref<512xi32, #tpu.memory_space<vmem>>, vector<16xi32>,
    %get3A_191 = vector.shape_cast %get3A_190 : vector<16xi32> to vector<16xi32>
    %add3A_192 = arith.addi %mul3A_188, %get3A_191 : vector<16xi32>
    %swap3A_193 = arith.constant 208 : index
    %swap3A_194 = tpu.vector_load %arg12[%swap3A_193] {strides = array<i32>} : memref<512xi32, #tpu.memory_space<vmem>>, vector<16xi32>,
    %swap3A_195 = vector.shape_cast %swap3A_194 : vector<16xi32> to vector<16xi32>
    %swap3A_196 = vector.shape_cast %add3A_192 : vector<16xi32> to vector<16xi32>
    tpu.vector_store %arg12[%swap3A_193], %swap3A_196 {strides = array<i32>} : memref<512xi32, #tpu.memory_space<vmem>>, vector<16xi32>,
    %get3A_197 = arith.constant 224 : index
    %get3A_198 = tpu.vector_load %arg9[%get3A_197] {strides = array<i32>} : memref<512xi32, #tpu.memory_space<vmem>>, vector<16xi32>,
    %get3A_199 = vector.shape_cast %get3A_198 : vector<16xi32> to vector<16xi32>
    %mul3A_200 = arith.constant 288 : i32
    %mul3A_201 = vector.broadcast %mul3A_200 : i32 to vector<16xi32>
    %mul3A_202 = arith.muli %get3A_199, %mul3A_201 : vector<16xi32>
    %get3A_203 = arith.constant 224 : index
    %get3A_204 = tpu.vector_load %arg10[%get3A_203] {strides = array<i32>} : memref<512xi32, #tpu.memory_space<vmem>>, vector<16xi32>,
    %get3A_205 = vector.shape_cast %get3A_204 : vector<16xi32> to vector<16xi32>
    %add3A_206 = arith.addi %mul3A_202, %get3A_205 : vector<16xi32>
    %swap3A_207 = arith.constant 224 : index
    %swap3A_208 = tpu.vector_load %arg12[%swap3A_207] {strides = array<i32>} : memref<512xi32, #tpu.memory_space<vmem>>, vector<16xi32>,
    %swap3A_209 = vector.shape_cast %swap3A_208 : vector<16xi32> to vector<16xi32>
    %swap3A_210 = vector.shape_cast %add3A_206 : vector<16xi32> to vector<16xi32>
    tpu.vector_store %arg12[%swap3A_207], %swap3A_210 {strides = array<i32>} : memref<512xi32, #tpu.memory_space<vmem>>, vector<16xi32>,
    %get3A_211 = arith.constant 240 : index
    %get3A_212 = tpu.vector_load %arg9[%get3A_211] {strides = array<i32>} : memref<512xi32, #tpu.memory_space<vmem>>, vector<16xi32>,
    %get3A_213 = vector.shape_cast %get3A_212 : vector<16xi32> to vector<16xi32>
    %mul3A_214 = arith.constant 288 : i32
    %mul3A_215 = vector.broadcast %mul3A_214 : i32 to vector<16xi32>
    %mul3A_216 = arith.muli %get3A_213, %mul3A_215 : vector<16xi32>
    %get3A_217 = arith.constant 240 : index
    %get3A_218 = tpu.vector_load %arg10[%get3A_217] {strides = array<i32>} : memref<512xi32, #tpu.memory_space<vmem>>, vector<16xi32>,
    %get3A_219 = vector.shape_cast %get3A_218 : vector<16xi32> to vector<16xi32>
    %add3A_220 = arith.addi %mul3A_216, %get3A_219 : vector<16xi32>
    %swap3A_221 = arith.constant 240 : index
    %swap3A_222 = tpu.vector_load %arg12[%swap3A_221] {strides = array<i32>} : memref<512xi32, #tpu.memory_space<vmem>>, vector<16xi32>,
    %swap3A_223 = vector.shape_cast %swap3A_222 : vector<16xi32> to vector<16xi32>
    %swap3A_224 = vector.shape_cast %add3A_220 : vector<16xi32> to vector<16xi32>
    tpu.vector_store %arg12[%swap3A_221], %swap3A_224 {strides = array<i32>} : memref<512xi32, #tpu.memory_space<vmem>>, vector<16xi32>,
    %get3A_225 = arith.constant 256 : index
    %get3A_226 = tpu.vector_load %arg9[%get3A_225] {strides = array<i32>} : memref<512xi32, #tpu.memory_space<vmem>>, vector<16xi32>,
    %get3A_227 = vector.shape_cast %get3A_226 : vector<16xi32> to vector<16xi32>
    %mul3A_228 = arith.constant 288 : i32
    %mul3A_229 = vector.broadcast %mul3A_228 : i32 to vector<16xi32>
    %mul3A_230 = arith.muli %get3A_227, %mul3A_229 : vector<16xi32>
    %get3A_231 = arith.constant 256 : index
    %get3A_232 = tpu.vector_load %arg10[%get3A_231] {strides = array<i32>} : memref<512xi32, #tpu.memory_space<vmem>>, vector<16xi32>,
    %get3A_233 = vector.shape_cast %get3A_232 : vector<16xi32> to vector<16xi32>
    %add3A_234 = arith.addi %mul3A_230, %get3A_233 : vector<16xi32>
    %swap3A_235 = arith.constant 256 : index
    %swap3A_236 = tpu.vector_load %arg12[%swap3A_235] {strides = array<i32>} : memref<512xi32, #tpu.memory_space<vmem>>, vector<16xi32>,
    %swap3A_237 = vector.shape_cast %swap3A_236 : vector<16xi32> to vector<16xi32>
    %swap3A_238 = vector.shape_cast %add3A_234 : vector<16xi32> to vector<16xi32>
    tpu.vector_store %arg12[%swap3A_235], %swap3A_238 {strides = array<i32>} : memref<512xi32, #tpu.memory_space<vmem>>, vector<16xi32>,
    %get3A_239 = arith.constant 272 : index
    %get3A_240 = tpu.vector_load %arg9[%get3A_239] {strides = array<i32>} : memref<512xi32, #tpu.memory_space<vmem>>, vector<16xi32>,
    %get3A_241 = vector.shape_cast %get3A_240 : vector<16xi32> to vector<16xi32>
    %mul3A_242 = arith.constant 288 : i32
    %mul3A_243 = vector.broadcast %mul3A_242 : i32 to vector<16xi32>
    %mul3A_244 = arith.muli %get3A_241, %mul3A_243 : vector<16xi32>
    %get3A_245 = arith.constant 272 : index
    %get3A_246 = tpu.vector_load %arg10[%get3A_245] {strides = array<i32>} : memref<512xi32, #tpu.memory_space<vmem>>, vector<16xi32>,
    %get3A_247 = vector.shape_cast %get3A_246 : vector<16xi32> to vector<16xi32>
    %add3A_248 = arith.addi %mul3A_244, %get3A_247 : vector<16xi32>
    %swap3A_249 = arith.constant 272 : index
    %swap3A_250 = tpu.vector_load %arg12[%swap3A_249] {strides = array<i32>} : memref<512xi32, #tpu.memory_space<vmem>>, vector<16xi32>,
    %swap3A_251 = vector.shape_cast %swap3A_250 : vector<16xi32> to vector<16xi32>
    %swap3A_252 = vector.shape_cast %add3A_248 : vector<16xi32> to vector<16xi32>
    tpu.vector_store %arg12[%swap3A_249], %swap3A_252 {strides = array<i32>} : memref<512xi32, #tpu.memory_space<vmem>>, vector<16xi32>,
    %get3A_253 = arith.constant 288 : index
    %get3A_254 = tpu.vector_load %arg9[%get3A_253] {strides = array<i32>} : memref<512xi32, #tpu.memory_space<vmem>>, vector<16xi32>,
    %get3A_255 = vector.shape_cast %get3A_254 : vector<16xi32> to vector<16xi32>
    %mul3A_256 = arith.constant 288 : i32
    %mul3A_257 = vector.broadcast %mul3A_256 : i32 to vector<16xi32>
    %mul3A_258 = arith.muli %get3A_255, %mul3A_257 : vector<16xi32>
    %get3A_259 = arith.constant 288 : index
    %get3A_260 = tpu.vector_load %arg10[%get3A_259] {strides = array<i32>} : memref<512xi32, #tpu.memory_space<vmem>>, vector<16xi32>,
    %get3A_261 = vector.shape_cast %get3A_260 : vector<16xi32> to vector<16xi32>
    %add3A_262 = arith.addi %mul3A_258, %get3A_261 : vector<16xi32>
    %swap3A_263 = arith.constant 288 : index
    %swap3A_264 = tpu.vector_load %arg12[%swap3A_263] {strides = array<i32>} : memref<512xi32, #tpu.memory_space<vmem>>, vector<16xi32>,
    %swap3A_265 = vector.shape_cast %swap3A_264 : vector<16xi32> to vector<16xi32>
    %swap3A_266 = vector.shape_cast %add3A_262 : vector<16xi32> to vector<16xi32>
    tpu.vector_store %arg12[%swap3A_263], %swap3A_266 {strides = array<i32>} : memref<512xi32, #tpu.memory_space<vmem>>, vector<16xi32>,
    %get3A_267 = arith.constant 304 : index
    %get3A_268 = tpu.vector_load %arg9[%get3A_267] {strides = array<i32>} : memref<512xi32, #tpu.memory_space<vmem>>, vector<16xi32>,
    %get3A_269 = vector.shape_cast %get3A_268 : vector<16xi32> to vector<16xi32>
    %mul3A_270 = arith.constant 288 : i32
    %mul3A_271 = vector.broadcast %mul3A_270 : i32 to vector<16xi32>
    %mul3A_272 = arith.muli %get3A_269, %mul3A_271 : vector<16xi32>
    %get3A_273 = arith.constant 304 : index
    %get3A_274 = tpu.vector_load %arg10[%get3A_273] {strides = array<i32>} : memref<512xi32, #tpu.memory_space<vmem>>, vector<16xi32>,
    %get3A_275 = vector.shape_cast %get3A_274 : vector<16xi32> to vector<16xi32>
    %add3A_276 = arith.addi %mul3A_272, %get3A_275 : vector<16xi32>
    %swap3A_277 = arith.constant 304 : index
    %swap3A_278 = tpu.vector_load %arg12[%swap3A_277] {strides = array<i32>} : memref<512xi32, #tpu.memory_space<vmem>>, vector<16xi32>,
    %swap3A_279 = vector.shape_cast %swap3A_278 : vector<16xi32> to vector<16xi32>
    %swap3A_280 = vector.shape_cast %add3A_276 : vector<16xi32> to vector<16xi32>
    tpu.vector_store %arg12[%swap3A_277], %swap3A_280 {strides = array<i32>} : memref<512xi32, #tpu.memory_space<vmem>>, vector<16xi32>,
    %get3A_281 = arith.constant 320 : index
    %get3A_282 = tpu.vector_load %arg9[%get3A_281] {strides = array<i32>} : memref<512xi32, #tpu.memory_space<vmem>>, vector<16xi32>,
    %get3A_283 = vector.shape_cast %get3A_282 : vector<16xi32> to vector<16xi32>
    %mul3A_284 = arith.constant 288 : i32
    %mul3A_285 = vector.broadcast %mul3A_284 : i32 to vector<16xi32>
    %mul3A_286 = arith.muli %get3A_283, %mul3A_285 : vector<16xi32>
    %get3A_287 = arith.constant 320 : index
    %get3A_288 = tpu.vector_load %arg10[%get3A_287] {strides = array<i32>} : memref<512xi32, #tpu.memory_space<vmem>>, vector<16xi32>,
    %get3A_289 = vector.shape_cast %get3A_288 : vector<16xi32> to vector<16xi32>
    %add3A_290 = arith.addi %mul3A_286, %get3A_289 : vector<16xi32>
    %swap3A_291 = arith.constant 320 : index
    %swap3A_292 = tpu.vector_load %arg12[%swap3A_291] {strides = array<i32>} : memref<512xi32, #tpu.memory_space<vmem>>, vector<16xi32>,
    %swap3A_293 = vector.shape_cast %swap3A_292 : vector<16xi32> to vector<16xi32>
    %swap3A_294 = vector.shape_cast %add3A_290 : vector<16xi32> to vector<16xi32>
    tpu.vector_store %arg12[%swap3A_291], %swap3A_294 {strides = array<i32>} : memref<512xi32, #tpu.memory_space<vmem>>, vector<16xi32>,
    %get3A_295 = arith.constant 336 : index
    %get3A_296 = tpu.vector_load %arg9[%get3A_295] {strides = array<i32>} : memref<512xi32, #tpu.memory_space<vmem>>, vector<16xi32>,
    %get3A_297 = vector.shape_cast %get3A_296 : vector<16xi32> to vector<16xi32>
    %mul3A_298 = arith.constant 288 : i32
    %mul3A_299 = vector.broadcast %mul3A_298 : i32 to vector<16xi32>
    %mul3A_300 = arith.muli %get3A_297, %mul3A_299 : vector<16xi32>
    %get3A_301 = arith.constant 336 : index
    %get3A_302 = tpu.vector_load %arg10[%get3A_301] {strides = array<i32>} : memref<512xi32, #tpu.memory_space<vmem>>, vector<16xi32>,
    %get3A_303 = vector.shape_cast %get3A_302 : vector<16xi32> to vector<16xi32>
    %add3A_304 = arith.addi %mul3A_300, %get3A_303 : vector<16xi32>
    %swap3A_305 = arith.constant 336 : index
    %swap3A_306 = tpu.vector_load %arg12[%swap3A_305] {strides = array<i32>} : memref<512xi32, #tpu.memory_space<vmem>>, vector<16xi32>,
    %swap3A_307 = vector.shape_cast %swap3A_306 : vector<16xi32> to vector<16xi32>
    %swap3A_308 = vector.shape_cast %add3A_304 : vector<16xi32> to vector<16xi32>
    tpu.vector_store %arg12[%swap3A_305], %swap3A_308 {strides = array<i32>} : memref<512xi32, #tpu.memory_space<vmem>>, vector<16xi32>,
    %get3A_309 = arith.constant 352 : index
    %get3A_310 = tpu.vector_load %arg9[%get3A_309] {strides = array<i32>} : memref<512xi32, #tpu.memory_space<vmem>>, vector<16xi32>,
    %get3A_311 = vector.shape_cast %get3A_310 : vector<16xi32> to vector<16xi32>
    %mul3A_312 = arith.constant 288 : i32
    %mul3A_313 = vector.broadcast %mul3A_312 : i32 to vector<16xi32>
    %mul3A_314 = arith.muli %get3A_311, %mul3A_313 : vector<16xi32>
    %get3A_315 = arith.constant 352 : index
    %get3A_316 = tpu.vector_load %arg10[%get3A_315] {strides = array<i32>} : memref<512xi32, #tpu.memory_space<vmem>>, vector<16xi32>,
    %get3A_317 = vector.shape_cast %get3A_316 : vector<16xi32> to vector<16xi32>
    %add3A_318 = arith.addi %mul3A_314, %get3A_317 : vector<16xi32>
    %swap3A_319 = arith.constant 352 : index
    %swap3A_320 = tpu.vector_load %arg12[%swap3A_319] {strides = array<i32>} : memref<512xi32, #tpu.memory_space<vmem>>, vector<16xi32>,
    %swap3A_321 = vector.shape_cast %swap3A_320 : vector<16xi32> to vector<16xi32>
    %swap3A_322 = vector.shape_cast %add3A_318 : vector<16xi32> to vector<16xi32>
    tpu.vector_store %arg12[%swap3A_319], %swap3A_322 {strides = array<i32>} : memref<512xi32, #tpu.memory_space<vmem>>, vector<16xi32>,
    %get3A_323 = arith.constant 368 : index
    %get3A_324 = tpu.vector_load %arg9[%get3A_323] {strides = array<i32>} : memref<512xi32, #tpu.memory_space<vmem>>, vector<16xi32>,
    %get3A_325 = vector.shape_cast %get3A_324 : vector<16xi32> to vector<16xi32>
    %mul3A_326 = arith.constant 288 : i32
    %mul3A_327 = vector.broadcast %mul3A_326 : i32 to vector<16xi32>
    %mul3A_328 = arith.muli %get3A_325, %mul3A_327 : vector<16xi32>
    %get3A_329 = arith.constant 368 : index
    %get3A_330 = tpu.vector_load %arg10[%get3A_329] {strides = array<i32>} : memref<512xi32, #tpu.memory_space<vmem>>, vector<16xi32>,
    %get3A_331 = vector.shape_cast %get3A_330 : vector<16xi32> to vector<16xi32>
    %add3A_332 = arith.addi %mul3A_328, %get3A_331 : vector<16xi32>
    %swap3A_333 = arith.constant 368 : index
    %swap3A_334 = tpu.vector_load %arg12[%swap3A_333] {strides = array<i32>} : memref<512xi32, #tpu.memory_space<vmem>>, vector<16xi32>,
    %swap3A_335 = vector.shape_cast %swap3A_334 : vector<16xi32> to vector<16xi32>
    %swap3A_336 = vector.shape_cast %add3A_332 : vector<16xi32> to vector<16xi32>
    tpu.vector_store %arg12[%swap3A_333], %swap3A_336 {strides = array<i32>} : memref<512xi32, #tpu.memory_space<vmem>>, vector<16xi32>,
    %get3A_337 = arith.constant 384 : index
    %get3A_338 = tpu.vector_load %arg9[%get3A_337] {strides = array<i32>} : memref<512xi32, #tpu.memory_space<vmem>>, vector<16xi32>,
    %get3A_339 = vector.shape_cast %get3A_338 : vector<16xi32> to vector<16xi32>
    %mul3A_340 = arith.constant 288 : i32
    %mul3A_341 = vector.broadcast %mul3A_340 : i32 to vector<16xi32>
    %mul3A_342 = arith.muli %get3A_339, %mul3A_341 : vector<16xi32>
    %get3A_343 = arith.constant 384 : index
    %get3A_344 = tpu.vector_load %arg10[%get3A_343] {strides = array<i32>} : memref<512xi32, #tpu.memory_space<vmem>>, vector<16xi32>,
    %get3A_345 = vector.shape_cast %get3A_344 : vector<16xi32> to vector<16xi32>
    %add3A_346 = arith.addi %mul3A_342, %get3A_345 : vector<16xi32>
    %swap3A_347 = arith.constant 384 : index
    %swap3A_348 = tpu.vector_load %arg12[%swap3A_347] {strides = array<i32>} : memref<512xi32, #tpu.memory_space<vmem>>, vector<16xi32>,
    %swap3A_349 = vector.shape_cast %swap3A_348 : vector<16xi32> to vector<16xi32>
    %swap3A_350 = vector.shape_cast %add3A_346 : vector<16xi32> to vector<16xi32>
    tpu.vector_store %arg12[%swap3A_347], %swap3A_350 {strides = array<i32>} : memref<512xi32, #tpu.memory_space<vmem>>, vector<16xi32>,
    %get3A_351 = arith.constant 400 : index
    %get3A_352 = tpu.vector_load %arg9[%get3A_351] {strides = array<i32>} : memref<512xi32, #tpu.memory_space<vmem>>, vector<16xi32>,
    %get3A_353 = vector.shape_cast %get3A_352 : vector<16xi32> to vector<16xi32>
    %mul3A_354 = arith.constant 288 : i32
    %mul3A_355 = vector.broadcast %mul3A_354 : i32 to vector<16xi32>
    %mul3A_356 = arith.muli %get3A_353, %mul3A_355 : vector<16xi32>
    %get3A_357 = arith.constant 400 : index
    %get3A_358 = tpu.vector_load %arg10[%get3A_357] {strides = array<i32>} : memref<512xi32, #tpu.memory_space<vmem>>, vector<16xi32>,
    %get3A_359 = vector.shape_cast %get3A_358 : vector<16xi32> to vector<16xi32>
    %add3A_360 = arith.addi %mul3A_356, %get3A_359 : vector<16xi32>
    %swap3A_361 = arith.constant 400 : index
    %swap3A_362 = tpu.vector_load %arg12[%swap3A_361] {strides = array<i32>} : memref<512xi32, #tpu.memory_space<vmem>>, vector<16xi32>,
    %swap3A_363 = vector.shape_cast %swap3A_362 : vector<16xi32> to vector<16xi32>
    %swap3A_364 = vector.shape_cast %add3A_360 : vector<16xi32> to vector<16xi32>
    tpu.vector_store %arg12[%swap3A_361], %swap3A_364 {strides = array<i32>} : memref<512xi32, #tpu.memory_space<vmem>>, vector<16xi32>,
    %get3A_365 = arith.constant 416 : index
    %get3A_366 = tpu.vector_load %arg9[%get3A_365] {strides = array<i32>} : memref<512xi32, #tpu.memory_space<vmem>>, vector<16xi32>,
    %get3A_367 = vector.shape_cast %get3A_366 : vector<16xi32> to vector<16xi32>
    %mul3A_368 = arith.constant 288 : i32
    %mul3A_369 = vector.broadcast %mul3A_368 : i32 to vector<16xi32>
    %mul3A_370 = arith.muli %get3A_367, %mul3A_369 : vector<16xi32>
    %get3A_371 = arith.constant 416 : index
    %get3A_372 = tpu.vector_load %arg10[%get3A_371] {strides = array<i32>} : memref<512xi32, #tpu.memory_space<vmem>>, vector<16xi32>,
    %get3A_373 = vector.shape_cast %get3A_372 : vector<16xi32> to vector<16xi32>
    %add3A_374 = arith.addi %mul3A_370, %get3A_373 : vector<16xi32>
    %swap3A_375 = arith.constant 416 : index
    %swap3A_376 = tpu.vector_load %arg12[%swap3A_375] {strides = array<i32>} : memref<512xi32, #tpu.memory_space<vmem>>, vector<16xi32>,
    %swap3A_377 = vector.shape_cast %swap3A_376 : vector<16xi32> to vector<16xi32>
    %swap3A_378 = vector.shape_cast %add3A_374 : vector<16xi32> to vector<16xi32>
    tpu.vector_store %arg12[%swap3A_375], %swap3A_378 {strides = array<i32>} : memref<512xi32, #tpu.memory_space<vmem>>, vector<16xi32>,
    %get3A_379 = arith.constant 432 : index
    %get3A_380 = tpu.vector_load %arg9[%get3A_379] {strides = array<i32>} : memref<512xi32, #tpu.memory_space<vmem>>, vector<16xi32>,
    %get3A_381 = vector.shape_cast %get3A_380 : vector<16xi32> to vector<16xi32>
    %mul3A_382 = arith.constant 288 : i32
    %mul3A_383 = vector.broadcast %mul3A_382 : i32 to vector<16xi32>
    %mul3A_384 = arith.muli %get3A_381, %mul3A_383 : vector<16xi32>
    %get3A_385 = arith.constant 432 : index
    %get3A_386 = tpu.vector_load %arg10[%get3A_385] {strides = array<i32>} : memref<512xi32, #tpu.memory_space<vmem>>, vector<16xi32>,
    %get3A_387 = vector.shape_cast %get3A_386 : vector<16xi32> to vector<16xi32>
    %add3A_388 = arith.addi %mul3A_384, %get3A_387 : vector<16xi32>
    %swap3A_389 = arith.constant 432 : index
    %swap3A_390 = tpu.vector_load %arg12[%swap3A_389] {strides = array<i32>} : memref<512xi32, #tpu.memory_space<vmem>>, vector<16xi32>,
    %swap3A_391 = vector.shape_cast %swap3A_390 : vector<16xi32> to vector<16xi32>
    %swap3A_392 = vector.shape_cast %add3A_388 : vector<16xi32> to vector<16xi32>
    tpu.vector_store %arg12[%swap3A_389], %swap3A_392 {strides = array<i32>} : memref<512xi32, #tpu.memory_space<vmem>>, vector<16xi32>,
    %get3A_393 = arith.constant 448 : index
    %get3A_394 = tpu.vector_load %arg9[%get3A_393] {strides = array<i32>} : memref<512xi32, #tpu.memory_space<vmem>>, vector<16xi32>,
    %get3A_395 = vector.shape_cast %get3A_394 : vector<16xi32> to vector<16xi32>
    %mul3A_396 = arith.constant 288 : i32
    %mul3A_397 = vector.broadcast %mul3A_396 : i32 to vector<16xi32>
    %mul3A_398 = arith.muli %get3A_395, %mul3A_397 : vector<16xi32>
    %get3A_399 = arith.constant 448 : index
    %get3A_400 = tpu.vector_load %arg10[%get3A_399] {strides = array<i32>} : memref<512xi32, #tpu.memory_space<vmem>>, vector<16xi32>,
    %get3A_401 = vector.shape_cast %get3A_400 : vector<16xi32> to vector<16xi32>
    %add3A_402 = arith.addi %mul3A_398, %get3A_401 : vector<16xi32>
    %swap3A_403 = arith.constant 448 : index
    %swap3A_404 = tpu.vector_load %arg12[%swap3A_403] {strides = array<i32>} : memref<512xi32, #tpu.memory_space<vmem>>, vector<16xi32>,
    %swap3A_405 = vector.shape_cast %swap3A_404 : vector<16xi32> to vector<16xi32>
    %swap3A_406 = vector.shape_cast %add3A_402 : vector<16xi32> to vector<16xi32>
    tpu.vector_store %arg12[%swap3A_403], %swap3A_406 {strides = array<i32>} : memref<512xi32, #tpu.memory_space<vmem>>, vector<16xi32>,
    %get3A_407 = arith.constant 464 : index
    %get3A_408 = tpu.vector_load %arg9[%get3A_407] {strides = array<i32>} : memref<512xi32, #tpu.memory_space<vmem>>, vector<16xi32>,
    %get3A_409 = vector.shape_cast %get3A_408 : vector<16xi32> to vector<16xi32>
    %mul3A_410 = arith.constant 288 : i32
    %mul3A_411 = vector.broadcast %mul3A_410 : i32 to vector<16xi32>
    %mul3A_412 = arith.muli %get3A_409, %mul3A_411 : vector<16xi32>
    %get3A_413 = arith.constant 464 : index
    %get3A_414 = tpu.vector_load %arg10[%get3A_413] {strides = array<i32>} : memref<512xi32, #tpu.memory_space<vmem>>, vector<16xi32>,
    %get3A_415 = vector.shape_cast %get3A_414 : vector<16xi32> to vector<16xi32>
    %add3A_416 = arith.addi %mul3A_412, %get3A_415 : vector<16xi32>
    %swap3A_417 = arith.constant 464 : index
    %swap3A_418 = tpu.vector_load %arg12[%swap3A_417] {strides = array<i32>} : memref<512xi32, #tpu.memory_space<vmem>>, vector<16xi32>,
    %swap3A_419 = vector.shape_cast %swap3A_418 : vector<16xi32> to vector<16xi32>
    %swap3A_420 = vector.shape_cast %add3A_416 : vector<16xi32> to vector<16xi32>
    tpu.vector_store %arg12[%swap3A_417], %swap3A_420 {strides = array<i32>} : memref<512xi32, #tpu.memory_space<vmem>>, vector<16xi32>,
    %get3A_421 = arith.constant 480 : index
    %get3A_422 = tpu.vector_load %arg9[%get3A_421] {strides = array<i32>} : memref<512xi32, #tpu.memory_space<vmem>>, vector<16xi32>,
    %get3A_423 = vector.shape_cast %get3A_422 : vector<16xi32> to vector<16xi32>
    %mul3A_424 = arith.constant 288 : i32
    %mul3A_425 = vector.broadcast %mul3A_424 : i32 to vector<16xi32>
    %mul3A_426 = arith.muli %get3A_423, %mul3A_425 : vector<16xi32>
    %get3A_427 = arith.constant 480 : index
    %get3A_428 = tpu.vector_load %arg10[%get3A_427] {strides = array<i32>} : memref<512xi32, #tpu.memory_space<vmem>>, vector<16xi32>,
    %get3A_429 = vector.shape_cast %get3A_428 : vector<16xi32> to vector<16xi32>
    %add3A_430 = arith.addi %mul3A_426, %get3A_429 : vector<16xi32>
    %swap3A_431 = arith.constant 480 : index
    %swap3A_432 = tpu.vector_load %arg12[%swap3A_431] {strides = array<i32>} : memref<512xi32, #tpu.memory_space<vmem>>, vector<16xi32>,
    %swap3A_433 = vector.shape_cast %swap3A_432 : vector<16xi32> to vector<16xi32>
    %swap3A_434 = vector.shape_cast %add3A_430 : vector<16xi32> to vector<16xi32>
    tpu.vector_store %arg12[%swap3A_431], %swap3A_434 {strides = array<i32>} : memref<512xi32, #tpu.memory_space<vmem>>, vector<16xi32>,
    %get3A_435 = arith.constant 496 : index
    %get3A_436 = tpu.vector_load %arg9[%get3A_435] {strides = array<i32>} : memref<512xi32, #tpu.memory_space<vmem>>, vector<16xi32>,
    %get3A_437 = vector.shape_cast %get3A_436 : vector<16xi32> to vector<16xi32>
    %mul3A_438 = arith.constant 288 : i32
    %mul3A_439 = vector.broadcast %mul3A_438 : i32 to vector<16xi32>
    %mul3A_440 = arith.muli %get3A_437, %mul3A_439 : vector<16xi32>
    %get3A_441 = arith.constant 496 : index
    %get3A_442 = tpu.vector_load %arg10[%get3A_441] {strides = array<i32>} : memref<512xi32, #tpu.memory_space<vmem>>, vector<16xi32>,
    %get3A_443 = vector.shape_cast %get3A_442 : vector<16xi32> to vector<16xi32>
    %add3A_444 = arith.addi %mul3A_440, %get3A_443 : vector<16xi32>
    %swap3A_445 = arith.constant 496 : index
    %swap3A_446 = tpu.vector_load %arg12[%swap3A_445] {strides = array<i32>} : memref<512xi32, #tpu.memory_space<vmem>>, vector<16xi32>,
    %swap3A_447 = vector.shape_cast %swap3A_446 : vector<16xi32> to vector<16xi32>
    %swap3A_448 = vector.shape_cast %add3A_444 : vector<16xi32> to vector<16xi32>
    tpu.vector_store %arg12[%swap3A_445], %swap3A_448 {strides = array<i32>} : memref<512xi32, #tpu.memory_space<vmem>>, vector<16xi32>,
    %dma_start3A = arith.constant 0 : i32
    %dma_start3A_449 = tpu.memref_slice %arg19[%dma_start3A] : memref<512xf32, #tpu.memory_space<vmem>> -> memref<128xf32, #tpu.memory_space<vmem>>
    %dma_start3A_450 = arith.constant 0 : i32
    %dma_start3A_451 = tpu.memref_slice %arg12[%dma_start3A_450] : memref<512xi32, #tpu.memory_space<vmem>> -> memref<128xi32, #tpu.memory_space<vmem>>
    %dma_start3A_452 = arith.constant 0 : i32
    %dma_start3A_453 = tpu.memref_slice %arg6[%dma_start3A_452] : memref<28800000xf32, #tpu.memory_space<hbm>> -> memref<28800000xf32, #tpu.memory_space<hbm>>
    tpu.enqueue_indirect_dma source(%dma_start3A_453 : memref<28800000xf32, #tpu.memory_space<hbm>>) target(%dma_start3A_449 : memref<128xf32, #tpu.memory_space<vmem>>) offsets(%dma_start3A_451 : memref<128xi32, #tpu.memory_space<vmem>>) semaphore(%arg21 : memref<!tpu.dma_semaphore, #tpu.memory_space<semaphore_mem>>)
    %dma_start3A_454 = arith.constant 128 : i32
    %dma_start3A_455 = tpu.memref_slice %arg19[%dma_start3A_454] : memref<512xf32, #tpu.memory_space<vmem>> -> memref<128xf32, #tpu.memory_space<vmem>>
    %dma_start3A_456 = arith.constant 128 : i32
    %dma_start3A_457 = tpu.memref_slice %arg12[%dma_start3A_456] : memref<512xi32, #tpu.memory_space<vmem>> -> memref<128xi32, #tpu.memory_space<vmem>>
    %dma_start3A_458 = arith.constant 0 : i32
    %dma_start3A_459 = tpu.memref_slice %arg6[%dma_start3A_458] : memref<28800000xf32, #tpu.memory_space<hbm>> -> memref<28800000xf32, #tpu.memory_space<hbm>>
    tpu.enqueue_indirect_dma source(%dma_start3A_459 : memref<28800000xf32, #tpu.memory_space<hbm>>) target(%dma_start3A_455 : memref<128xf32, #tpu.memory_space<vmem>>) offsets(%dma_start3A_457 : memref<128xi32, #tpu.memory_space<vmem>>) semaphore(%arg21 : memref<!tpu.dma_semaphore, #tpu.memory_space<semaphore_mem>>)
    %dma_start3A_460 = arith.constant 256 : i32
    %dma_start3A_461 = tpu.memref_slice %arg19[%dma_start3A_460] : memref<512xf32, #tpu.memory_space<vmem>> -> memref<128xf32, #tpu.memory_space<vmem>>
    %dma_start3A_462 = arith.constant 256 : i32
    %dma_start3A_463 = tpu.memref_slice %arg12[%dma_start3A_462] : memref<512xi32, #tpu.memory_space<vmem>> -> memref<128xi32, #tpu.memory_space<vmem>>
    %dma_start3A_464 = arith.constant 0 : i32
    %dma_start3A_465 = tpu.memref_slice %arg6[%dma_start3A_464] : memref<28800000xf32, #tpu.memory_space<hbm>> -> memref<28800000xf32, #tpu.memory_space<hbm>>
    tpu.enqueue_indirect_dma source(%dma_start3A_465 : memref<28800000xf32, #tpu.memory_space<hbm>>) target(%dma_start3A_461 : memref<128xf32, #tpu.memory_space<vmem>>) offsets(%dma_start3A_463 : memref<128xi32, #tpu.memory_space<vmem>>) semaphore(%arg21 : memref<!tpu.dma_semaphore, #tpu.memory_space<semaphore_mem>>)
    %dma_start3A_466 = arith.constant 384 : i32
    %dma_start3A_467 = tpu.memref_slice %arg19[%dma_start3A_466] : memref<512xf32, #tpu.memory_space<vmem>> -> memref<128xf32, #tpu.memory_space<vmem>>
    %dma_start3A_468 = arith.constant 384 : i32
    %dma_start3A_469 = tpu.memref_slice %arg12[%dma_start3A_468] : memref<512xi32, #tpu.memory_space<vmem>> -> memref<128xi32, #tpu.memory_space<vmem>>
    %dma_start3A_470 = arith.constant 0 : i32
    %dma_start3A_471 = tpu.memref_slice %arg6[%dma_start3A_470] : memref<28800000xf32, #tpu.memory_space<hbm>> -> memref<28800000xf32, #tpu.memory_space<hbm>>
    tpu.enqueue_indirect_dma source(%dma_start3A_471 : memref<28800000xf32, #tpu.memory_space<hbm>>) target(%dma_start3A_467 : memref<128xf32, #tpu.memory_space<vmem>>) offsets(%dma_start3A_469 : memref<128xi32, #tpu.memory_space<vmem>>) semaphore(%arg21 : memref<!tpu.dma_semaphore, #tpu.memory_space<semaphore_mem>>)
    %dma_start3A_472 = arith.constant 0 : i32
    %dma_start3A_473 = tpu.memref_slice %arg9[%dma_start3A_472] : memref<512xi32, #tpu.memory_space<vmem>> -> memref<128xi32, #tpu.memory_space<vmem>>
    %dma_start3A_474 = arith.constant 0 : i32
    %dma_start3A_475 = arith.constant 0 : i32
    %dma_start3A_476 = tpu.memref_slice %arg5[%dma_start3A_474, %dma_start3A_475] : memref<100000x128xf32, #tpu.memory_space<hbm>> -> memref<100000x128xf32, #tpu.memory_space<hbm>>
    tpu.enqueue_indirect_dma source(%dma_start3A_476 : memref<100000x128xf32, #tpu.memory_space<hbm>>) target(%arg13 : memref<128x128xf32, #tpu.memory_space<vmem>>) offsets(%dma_start3A_473 : memref<128xi32, #tpu.memory_space<vmem>>) semaphore(%arg20 : memref<!tpu.dma_semaphore, #tpu.memory_space<semaphore_mem>>)
    %dma_start3A_477 = arith.constant 0 : i32
    %dma_start3A_478 = tpu.memref_slice %arg11[%dma_start3A_477] : memref<512xi32, #tpu.memory_space<vmem>> -> memref<128xi32, #tpu.memory_space<vmem>>
    %dma_start3A_479 = arith.constant 0 : i32
    %dma_start3A_480 = arith.constant 0 : i32
    %dma_start3A_481 = tpu.memref_slice %arg5[%dma_start3A_479, %dma_start3A_480] : memref<100000x128xf32, #tpu.memory_space<hbm>> -> memref<100000x128xf32, #tpu.memory_space<hbm>>
    tpu.enqueue_indirect_dma source(%dma_start3A_481 : memref<100000x128xf32, #tpu.memory_space<hbm>>) target(%arg14 : memref<128x128xf32, #tpu.memory_space<vmem>>) offsets(%dma_start3A_478 : memref<128xi32, #tpu.memory_space<vmem>>) semaphore(%arg20 : memref<!tpu.dma_semaphore, #tpu.memory_space<semaphore_mem>>)
    %dma_start3A_482 = arith.constant 0 : i32
    %dma_start3A_483 = tpu.memref_slice %arg10[%dma_start3A_482] : memref<512xi32, #tpu.memory_space<vmem>> -> memref<128xi32, #tpu.memory_space<vmem>>
    %dma_start3A_484 = arith.constant 0 : i32
    %dma_start3A_485 = arith.constant 0 : i32
    %dma_start3A_486 = tpu.memref_slice %arg5[%dma_start3A_484, %dma_start3A_485] : memref<100000x128xf32, #tpu.memory_space<hbm>> -> memref<100000x128xf32, #tpu.memory_space<hbm>>
    tpu.enqueue_indirect_dma source(%dma_start3A_486 : memref<100000x128xf32, #tpu.memory_space<hbm>>) target(%arg15 : memref<128x128xf32, #tpu.memory_space<vmem>>) offsets(%dma_start3A_483 : memref<128xi32, #tpu.memory_space<vmem>>) semaphore(%arg20 : memref<!tpu.dma_semaphore, #tpu.memory_space<semaphore_mem>>)
    %dma_wait3A = arith.constant 0 : i32
    %dma_wait3A_487 = tpu.memref_slice %arg9[%dma_wait3A] : memref<512xi32, #tpu.memory_space<vmem>> -> memref<128xi32, #tpu.memory_space<vmem>>
    %dma_wait3A_488 = arith.constant 0 : i32
    %dma_wait3A_489 = arith.constant 0 : i32
    %dma_wait3A_490 = tpu.memref_slice %arg5[%dma_wait3A_488, %dma_wait3A_489] : memref<100000x128xf32, #tpu.memory_space<hbm>> -> memref<100000x128xf32, #tpu.memory_space<hbm>>
    tpu.wait_indirect_dma semaphore(%arg20 : memref<!tpu.dma_semaphore, #tpu.memory_space<semaphore_mem>>) src(%dma_wait3A_490 : memref<100000x128xf32, #tpu.memory_space<hbm>>) dst(%arg13 : memref<128x128xf32, #tpu.memory_space<vmem>>)
    %dma_wait3A_491 = arith.constant 0 : i32
    %dma_wait3A_492 = tpu.memref_slice %arg11[%dma_wait3A_491] : memref<512xi32, #tpu.memory_space<vmem>> -> memref<128xi32, #tpu.memory_space<vmem>>
    %dma_wait3A_493 = arith.constant 0 : i32
    %dma_wait3A_494 = arith.constant 0 : i32
    %dma_wait3A_495 = tpu.memref_slice %arg5[%dma_wait3A_493, %dma_wait3A_494] : memref<100000x128xf32, #tpu.memory_space<hbm>> -> memref<100000x128xf32, #tpu.memory_space<hbm>>
    tpu.wait_indirect_dma semaphore(%arg20 : memref<!tpu.dma_semaphore, #tpu.memory_space<semaphore_mem>>) src(%dma_wait3A_495 : memref<100000x128xf32, #tpu.memory_space<hbm>>) dst(%arg14 : memref<128x128xf32, #tpu.memory_space<vmem>>)
    %dma_wait3A_496 = arith.constant 0 : i32
    %dma_wait3A_497 = tpu.memref_slice %arg10[%dma_wait3A_496] : memref<512xi32, #tpu.memory_space<vmem>> -> memref<128xi32, #tpu.memory_space<vmem>>
    %dma_wait3A_498 = arith.constant 0 : i32
    %dma_wait3A_499 = arith.constant 0 : i32
    %dma_wait3A_500 = tpu.memref_slice %arg5[%dma_wait3A_498, %dma_wait3A_499] : memref<100000x128xf32, #tpu.memory_space<hbm>> -> memref<100000x128xf32, #tpu.memory_space<hbm>>
    tpu.wait_indirect_dma semaphore(%arg20 : memref<!tpu.dma_semaphore, #tpu.memory_space<semaphore_mem>>) src(%dma_wait3A_500 : memref<100000x128xf32, #tpu.memory_space<hbm>>) dst(%arg15 : memref<128x128xf32, #tpu.memory_space<vmem>>)
    %dma_start3A_501 = arith.constant 128 : i32
    %dma_start3A_502 = tpu.memref_slice %arg9[%dma_start3A_501] : memref<512xi32, #tpu.memory_space<vmem>> -> memref<128xi32, #tpu.memory_space<vmem>>
    %dma_start3A_503 = arith.constant 0 : i32
    %dma_start3A_504 = arith.constant 0 : i32
    %dma_start3A_505 = tpu.memref_slice %arg5[%dma_start3A_503, %dma_start3A_504] : memref<100000x128xf32, #tpu.memory_space<hbm>> -> memref<100000x128xf32, #tpu.memory_space<hbm>>
    tpu.enqueue_indirect_dma source(%dma_start3A_505 : memref<100000x128xf32, #tpu.memory_space<hbm>>) target(%arg16 : memref<128x128xf32, #tpu.memory_space<vmem>>) offsets(%dma_start3A_502 : memref<128xi32, #tpu.memory_space<vmem>>) semaphore(%arg20 : memref<!tpu.dma_semaphore, #tpu.memory_space<semaphore_mem>>)
    %dma_start3A_506 = arith.constant 128 : i32
    %dma_start3A_507 = tpu.memref_slice %arg11[%dma_start3A_506] : memref<512xi32, #tpu.memory_space<vmem>> -> memref<128xi32, #tpu.memory_space<vmem>>
    %dma_start3A_508 = arith.constant 0 : i32
    %dma_start3A_509 = arith.constant 0 : i32
    %dma_start3A_510 = tpu.memref_slice %arg5[%dma_start3A_508, %dma_start3A_509] : memref<100000x128xf32, #tpu.memory_space<hbm>> -> memref<100000x128xf32, #tpu.memory_space<hbm>>
    tpu.enqueue_indirect_dma source(%dma_start3A_510 : memref<100000x128xf32, #tpu.memory_space<hbm>>) target(%arg17 : memref<128x128xf32, #tpu.memory_space<vmem>>) offsets(%dma_start3A_507 : memref<128xi32, #tpu.memory_space<vmem>>) semaphore(%arg20 : memref<!tpu.dma_semaphore, #tpu.memory_space<semaphore_mem>>)
    %dma_start3A_511 = arith.constant 128 : i32
    %dma_start3A_512 = tpu.memref_slice %arg10[%dma_start3A_511] : memref<512xi32, #tpu.memory_space<vmem>> -> memref<128xi32, #tpu.memory_space<vmem>>
    %dma_start3A_513 = arith.constant 0 : i32
    %dma_start3A_514 = arith.constant 0 : i32
    %dma_start3A_515 = tpu.memref_slice %arg5[%dma_start3A_513, %dma_start3A_514] : memref<100000x128xf32, #tpu.memory_space<hbm>> -> memref<100000x128xf32, #tpu.memory_space<hbm>>
    tpu.enqueue_indirect_dma source(%dma_start3A_515 : memref<100000x128xf32, #tpu.memory_space<hbm>>) target(%arg18 : memref<128x128xf32, #tpu.memory_space<vmem>>) offsets(%dma_start3A_512 : memref<128xi32, #tpu.memory_space<vmem>>) semaphore(%arg20 : memref<!tpu.dma_semaphore, #tpu.memory_space<semaphore_mem>>)
    %iota3A = tpu.iota {dimensions = array<i32: 0>} : vector<16xi32>
    %scan3A = arith.constant 0 : i32
    %scan3A_516 = arith.constant 128 : i32
    %scan3A_517 = arith.addi %scan3A, %scan3A_516 : i32
    %scan3A_518 = arith.constant 1 : i32
    scf.for %scan3A_645 = %scan3A to %scan3A_517 step %scan3A_518  : i32 {
      %get3A_646 = arith.index_cast %scan3A_645 : i32 to index
      %get3A_647 = arith.constant 32 : index
      %get3A_648 = tpu.vector_load %arg15[%get3A_646, %get3A_647] {strides = array<i32>} : memref<128x128xf32, #tpu.memory_space<vmem>>, vector<1x16xf32>,
      %get3A_649 = vector.shape_cast %get3A_648 : vector<1x16xf32> to vector<16xf32>
      %get3A_650 = arith.index_cast %scan3A_645 : i32 to index
      %get3A_651 = arith.constant 32 : index
      %get3A_652 = tpu.vector_load %arg14[%get3A_650, %get3A_651] {strides = array<i32>} : memref<128x128xf32, #tpu.memory_space<vmem>>, vector<1x16xf32>,
      %get3A_653 = vector.shape_cast %get3A_652 : vector<1x16xf32> to vector<16xf32>
      %lt3A = arith.constant 8 : i32
      %lt3A_654 = vector.broadcast %lt3A : i32 to vector<16xi32>
      %lt3A_655 = arith.cmpi slt, %iota3A, %lt3A_654 : vector<16xi32>
      %select_n3A = arith.select %lt3A_655, %get3A_649, %get3A_653 : vector<16xi1>, vector<16xf32>
      %swap3A_656 = arith.index_cast %scan3A_645 : i32 to index
      %swap3A_657 = arith.constant 32 : index
      %swap3A_658 = tpu.vector_load %arg13[%swap3A_656, %swap3A_657] {strides = array<i32>} : memref<128x128xf32, #tpu.memory_space<vmem>>, vector<1x16xf32>,
      %swap3A_659 = vector.shape_cast %swap3A_658 : vector<1x16xf32> to vector<16xf32>
      %swap3A_660 = vector.shape_cast %select_n3A : vector<16xf32> to vector<1x16xf32>
      tpu.vector_store %arg13[%swap3A_656, %swap3A_657], %swap3A_660 {strides = array<i32>} : memref<128x128xf32, #tpu.memory_space<vmem>>, vector<1x16xf32>,
      %get3A_661 = arith.index_cast %scan3A_645 : i32 to index
      %get3A_662 = arith.constant 48 : index
      %get3A_663 = tpu.vector_load %arg14[%get3A_661, %get3A_662] {strides = array<i32>} : memref<128x128xf32, #tpu.memory_space<vmem>>, vector<1x16xf32>,
      %get3A_664 = vector.shape_cast %get3A_663 : vector<1x16xf32> to vector<16xf32>
      %swap3A_665 = arith.index_cast %scan3A_645 : i32 to index
      %swap3A_666 = arith.constant 48 : index
      %swap3A_667 = tpu.vector_load %arg13[%swap3A_665, %swap3A_666] {strides = array<i32>} : memref<128x128xf32, #tpu.memory_space<vmem>>, vector<1x16xf32>,
      %swap3A_668 = vector.shape_cast %swap3A_667 : vector<1x16xf32> to vector<16xf32>
      %swap3A_669 = vector.shape_cast %get3A_664 : vector<16xf32> to vector<1x16xf32>
      tpu.vector_store %arg13[%swap3A_665, %swap3A_666], %swap3A_669 {strides = array<i32>} : memref<128x128xf32, #tpu.memory_space<vmem>>, vector<1x16xf32>,
    }
    %scan3A_519 = arith.constant 128 : i32
    %add3A_520 = arith.constant 0 : i32
    %add3A_521 = arith.addi %mul3A_2, %add3A_520 : i32
    "tpu.region"() ({
      %run_scoped3A = tpu.sem_alloc : memref<!tpu.dma_semaphore, #tpu.memory_space<semaphore_mem>>
      %dma_start3A_645 = arith.constant 0 : i32
      %dma_start3A_646 = tpu.memref_slice %arg7[%add3A_521, %dma_start3A_645] : memref<16384x128xf32, #tpu.memory_space<hbm>> -> memref<128x128xf32, #tpu.memory_space<hbm>>
      %dma_start3A_647 = arith.constant 0 : i32
      %dma_start3A_648 = tpu.memref_slice %arg7[%add3A_521, %dma_start3A_647] : memref<16384x128xf32, #tpu.memory_space<hbm>> -> memref<128x128xf32, #tpu.memory_space<hbm>>
      tpu.enqueue_dma source(%arg13 : memref<128x128xf32, #tpu.memory_space<vmem>>) target(%dma_start3A_648 : memref<128x128xf32, #tpu.memory_space<hbm>>) target_semaphore(%run_scoped3A : memref<!tpu.dma_semaphore, #tpu.memory_space<semaphore_mem>>)
      %dma_wait3A_649 = arith.constant 0 : i32
      %dma_wait3A_650 = tpu.memref_slice %arg7[%add3A_521, %dma_wait3A_649] : memref<16384x128xf32, #tpu.memory_space<hbm>> -> memref<128x128xf32, #tpu.memory_space<hbm>>
      %dma_wait3A_651 = arith.constant 0 : i32
      %dma_wait3A_652 = tpu.memref_slice %arg7[%add3A_521, %dma_wait3A_651] : memref<16384x128xf32, #tpu.memory_space<hbm>> -> memref<128x128xf32, #tpu.memory_space<hbm>>
      tpu.wait_dma2 semaphore(%run_scoped3A : memref<!tpu.dma_semaphore, #tpu.memory_space<semaphore_mem>>) src(%arg13 : memref<128x128xf32, #tpu.memory_space<vmem>>) dst(%dma_wait3A_652 : memref<128x128xf32, #tpu.memory_space<hbm>>)
      tpu.yield
    }) : () -> ()
    %dma_wait3A_522 = arith.constant 128 : i32
    %dma_wait3A_523 = tpu.memref_slice %arg9[%dma_wait3A_522] : memref<512xi32, #tpu.memory_space<vmem>> -> memref<128xi32, #tpu.memory_space<vmem>>
    %dma_wait3A_524 = arith.constant 0 : i32
    %dma_wait3A_525 = arith.constant 0 : i32
    %dma_wait3A_526 = tpu.memref_slice %arg5[%dma_wait3A_524, %dma_wait3A_525] : memref<100000x128xf32, #tpu.memory_space<hbm>> -> memref<100000x128xf32, #tpu.memory_space<hbm>>
    tpu.wait_indirect_dma semaphore(%arg20 : memref<!tpu.dma_semaphore, #tpu.memory_space<semaphore_mem>>) src(%dma_wait3A_526 : memref<100000x128xf32, #tpu.memory_space<hbm>>) dst(%arg16 : memref<128x128xf32, #tpu.memory_space<vmem>>)
    %dma_wait3A_527 = arith.constant 128 : i32
    %dma_wait3A_528 = tpu.memref_slice %arg11[%dma_wait3A_527] : memref<512xi32, #tpu.memory_space<vmem>> -> memref<128xi32, #tpu.memory_space<vmem>>
    %dma_wait3A_529 = arith.constant 0 : i32
    %dma_wait3A_530 = arith.constant 0 : i32
    %dma_wait3A_531 = tpu.memref_slice %arg5[%dma_wait3A_529, %dma_wait3A_530] : memref<100000x128xf32, #tpu.memory_space<hbm>> -> memref<100000x128xf32, #tpu.memory_space<hbm>>
    tpu.wait_indirect_dma semaphore(%arg20 : memref<!tpu.dma_semaphore, #tpu.memory_space<semaphore_mem>>) src(%dma_wait3A_531 : memref<100000x128xf32, #tpu.memory_space<hbm>>) dst(%arg17 : memref<128x128xf32, #tpu.memory_space<vmem>>)
    %dma_wait3A_532 = arith.constant 128 : i32
    %dma_wait3A_533 = tpu.memref_slice %arg10[%dma_wait3A_532] : memref<512xi32, #tpu.memory_space<vmem>> -> memref<128xi32, #tpu.memory_space<vmem>>
    %dma_wait3A_534 = arith.constant 0 : i32
    %dma_wait3A_535 = arith.constant 0 : i32
    %dma_wait3A_536 = tpu.memref_slice %arg5[%dma_wait3A_534, %dma_wait3A_535] : memref<100000x128xf32, #tpu.memory_space<hbm>> -> memref<100000x128xf32, #tpu.memory_space<hbm>>
    tpu.wait_indirect_dma semaphore(%arg20 : memref<!tpu.dma_semaphore, #tpu.memory_space<semaphore_mem>>) src(%dma_wait3A_536 : memref<100000x128xf32, #tpu.memory_space<hbm>>) dst(%arg18 : memref<128x128xf32, #tpu.memory_space<vmem>>)
    %dma_start3A_537 = arith.constant 256 : i32
    %dma_start3A_538 = tpu.memref_slice %arg9[%dma_start3A_537] : memref<512xi32, #tpu.memory_space<vmem>> -> memref<128xi32, #tpu.memory_space<vmem>>
    %dma_start3A_539 = arith.constant 0 : i32
    %dma_start3A_540 = arith.constant 0 : i32
    %dma_start3A_541 = tpu.memref_slice %arg5[%dma_start3A_539, %dma_start3A_540] : memref<100000x128xf32, #tpu.memory_space<hbm>> -> memref<100000x128xf32, #tpu.memory_space<hbm>>
    tpu.enqueue_indirect_dma source(%dma_start3A_541 : memref<100000x128xf32, #tpu.memory_space<hbm>>) target(%arg13 : memref<128x128xf32, #tpu.memory_space<vmem>>) offsets(%dma_start3A_538 : memref<128xi32, #tpu.memory_space<vmem>>) semaphore(%arg20 : memref<!tpu.dma_semaphore, #tpu.memory_space<semaphore_mem>>)
    %dma_start3A_542 = arith.constant 256 : i32
    %dma_start3A_543 = tpu.memref_slice %arg11[%dma_start3A_542] : memref<512xi32, #tpu.memory_space<vmem>> -> memref<128xi32, #tpu.memory_space<vmem>>
    %dma_start3A_544 = arith.constant 0 : i32
    %dma_start3A_545 = arith.constant 0 : i32
    %dma_start3A_546 = tpu.memref_slice %arg5[%dma_start3A_544, %dma_start3A_545] : memref<100000x128xf32, #tpu.memory_space<hbm>> -> memref<100000x128xf32, #tpu.memory_space<hbm>>
    tpu.enqueue_indirect_dma source(%dma_start3A_546 : memref<100000x128xf32, #tpu.memory_space<hbm>>) target(%arg14 : memref<128x128xf32, #tpu.memory_space<vmem>>) offsets(%dma_start3A_543 : memref<128xi32, #tpu.memory_space<vmem>>) semaphore(%arg20 : memref<!tpu.dma_semaphore, #tpu.memory_space<semaphore_mem>>)
    %dma_start3A_547 = arith.constant 256 : i32
    %dma_start3A_548 = tpu.memref_slice %arg10[%dma_start3A_547] : memref<512xi32, #tpu.memory_space<vmem>> -> memref<128xi32, #tpu.memory_space<vmem>>
    %dma_start3A_549 = arith.constant 0 : i32
    %dma_start3A_550 = arith.constant 0 : i32
    %dma_start3A_551 = tpu.memref_slice %arg5[%dma_start3A_549, %dma_start3A_550] : memref<100000x128xf32, #tpu.memory_space<hbm>> -> memref<100000x128xf32, #tpu.memory_space<hbm>>
    tpu.enqueue_indirect_dma source(%dma_start3A_551 : memref<100000x128xf32, #tpu.memory_space<hbm>>) target(%arg15 : memref<128x128xf32, #tpu.memory_space<vmem>>) offsets(%dma_start3A_548 : memref<128xi32, #tpu.memory_space<vmem>>) semaphore(%arg20 : memref<!tpu.dma_semaphore, #tpu.memory_space<semaphore_mem>>)
    %iota3A_552 = tpu.iota {dimensions = array<i32: 0>} : vector<16xi32>
    %scan3A_553 = arith.constant 0 : i32
    %scan3A_554 = arith.constant 128 : i32
    %scan3A_555 = arith.addi %scan3A_553, %scan3A_554 : i32
    %scan3A_556 = arith.constant 1 : i32
    scf.for %scan3A_645 = %scan3A_553 to %scan3A_555 step %scan3A_556  : i32 {
      %get3A_646 = arith.index_cast %scan3A_645 : i32 to index
      %get3A_647 = arith.constant 32 : index
      %get3A_648 = tpu.vector_load %arg18[%get3A_646, %get3A_647] {strides = array<i32>} : memref<128x128xf32, #tpu.memory_space<vmem>>, vector<1x16xf32>,
      %get3A_649 = vector.shape_cast %get3A_648 : vector<1x16xf32> to vector<16xf32>
      %get3A_650 = arith.index_cast %scan3A_645 : i32 to index
      %get3A_651 = arith.constant 32 : index
      %get3A_652 = tpu.vector_load %arg17[%get3A_650, %get3A_651] {strides = array<i32>} : memref<128x128xf32, #tpu.memory_space<vmem>>, vector<1x16xf32>,
      %get3A_653 = vector.shape_cast %get3A_652 : vector<1x16xf32> to vector<16xf32>
      %lt3A = arith.constant 8 : i32
      %lt3A_654 = vector.broadcast %lt3A : i32 to vector<16xi32>
      %lt3A_655 = arith.cmpi slt, %iota3A_552, %lt3A_654 : vector<16xi32>
      %select_n3A = arith.select %lt3A_655, %get3A_649, %get3A_653 : vector<16xi1>, vector<16xf32>
      %swap3A_656 = arith.index_cast %scan3A_645 : i32 to index
      %swap3A_657 = arith.constant 32 : index
      %swap3A_658 = tpu.vector_load %arg16[%swap3A_656, %swap3A_657] {strides = array<i32>} : memref<128x128xf32, #tpu.memory_space<vmem>>, vector<1x16xf32>,
      %swap3A_659 = vector.shape_cast %swap3A_658 : vector<1x16xf32> to vector<16xf32>
      %swap3A_660 = vector.shape_cast %select_n3A : vector<16xf32> to vector<1x16xf32>
      tpu.vector_store %arg16[%swap3A_656, %swap3A_657], %swap3A_660 {strides = array<i32>} : memref<128x128xf32, #tpu.memory_space<vmem>>, vector<1x16xf32>,
      %get3A_661 = arith.index_cast %scan3A_645 : i32 to index
      %get3A_662 = arith.constant 48 : index
      %get3A_663 = tpu.vector_load %arg17[%get3A_661, %get3A_662] {strides = array<i32>} : memref<128x128xf32, #tpu.memory_space<vmem>>, vector<1x16xf32>,
      %get3A_664 = vector.shape_cast %get3A_663 : vector<1x16xf32> to vector<16xf32>
      %swap3A_665 = arith.index_cast %scan3A_645 : i32 to index
      %swap3A_666 = arith.constant 48 : index
      %swap3A_667 = tpu.vector_load %arg16[%swap3A_665, %swap3A_666] {strides = array<i32>} : memref<128x128xf32, #tpu.memory_space<vmem>>, vector<1x16xf32>,
      %swap3A_668 = vector.shape_cast %swap3A_667 : vector<1x16xf32> to vector<16xf32>
      %swap3A_669 = vector.shape_cast %get3A_664 : vector<16xf32> to vector<1x16xf32>
      tpu.vector_store %arg16[%swap3A_665, %swap3A_666], %swap3A_669 {strides = array<i32>} : memref<128x128xf32, #tpu.memory_space<vmem>>, vector<1x16xf32>,
    }
    %scan3A_557 = arith.constant 128 : i32
    %add3A_558 = arith.constant 128 : i32
    %add3A_559 = arith.addi %mul3A_2, %add3A_558 : i32
    "tpu.region"() ({
      %run_scoped3A = tpu.sem_alloc : memref<!tpu.dma_semaphore, #tpu.memory_space<semaphore_mem>>
      %dma_start3A_645 = arith.constant 0 : i32
      %dma_start3A_646 = tpu.memref_slice %arg7[%add3A_559, %dma_start3A_645] : memref<16384x128xf32, #tpu.memory_space<hbm>> -> memref<128x128xf32, #tpu.memory_space<hbm>>
      %dma_start3A_647 = arith.constant 0 : i32
      %dma_start3A_648 = tpu.memref_slice %arg7[%add3A_559, %dma_start3A_647] : memref<16384x128xf32, #tpu.memory_space<hbm>> -> memref<128x128xf32, #tpu.memory_space<hbm>>
      tpu.enqueue_dma source(%arg16 : memref<128x128xf32, #tpu.memory_space<vmem>>) target(%dma_start3A_648 : memref<128x128xf32, #tpu.memory_space<hbm>>) target_semaphore(%run_scoped3A : memref<!tpu.dma_semaphore, #tpu.memory_space<semaphore_mem>>)
      %dma_wait3A_649 = arith.constant 0 : i32
      %dma_wait3A_650 = tpu.memref_slice %arg7[%add3A_559, %dma_wait3A_649] : memref<16384x128xf32, #tpu.memory_space<hbm>> -> memref<128x128xf32, #tpu.memory_space<hbm>>
      %dma_wait3A_651 = arith.constant 0 : i32
      %dma_wait3A_652 = tpu.memref_slice %arg7[%add3A_559, %dma_wait3A_651] : memref<16384x128xf32, #tpu.memory_space<hbm>> -> memref<128x128xf32, #tpu.memory_space<hbm>>
      tpu.wait_dma2 semaphore(%run_scoped3A : memref<!tpu.dma_semaphore, #tpu.memory_space<semaphore_mem>>) src(%arg16 : memref<128x128xf32, #tpu.memory_space<vmem>>) dst(%dma_wait3A_652 : memref<128x128xf32, #tpu.memory_space<hbm>>)
      tpu.yield
    }) : () -> ()
    %dma_wait3A_560 = arith.constant 256 : i32
    %dma_wait3A_561 = tpu.memref_slice %arg9[%dma_wait3A_560] : memref<512xi32, #tpu.memory_space<vmem>> -> memref<128xi32, #tpu.memory_space<vmem>>
    %dma_wait3A_562 = arith.constant 0 : i32
    %dma_wait3A_563 = arith.constant 0 : i32
    %dma_wait3A_564 = tpu.memref_slice %arg5[%dma_wait3A_562, %dma_wait3A_563] : memref<100000x128xf32, #tpu.memory_space<hbm>> -> memref<100000x128xf32, #tpu.memory_space<hbm>>
    tpu.wait_indirect_dma semaphore(%arg20 : memref<!tpu.dma_semaphore, #tpu.memory_space<semaphore_mem>>) src(%dma_wait3A_564 : memref<100000x128xf32, #tpu.memory_space<hbm>>) dst(%arg13 : memref<128x128xf32, #tpu.memory_space<vmem>>)
    %dma_wait3A_565 = arith.constant 256 : i32
    %dma_wait3A_566 = tpu.memref_slice %arg11[%dma_wait3A_565] : memref<512xi32, #tpu.memory_space<vmem>> -> memref<128xi32, #tpu.memory_space<vmem>>
    %dma_wait3A_567 = arith.constant 0 : i32
    %dma_wait3A_568 = arith.constant 0 : i32
    %dma_wait3A_569 = tpu.memref_slice %arg5[%dma_wait3A_567, %dma_wait3A_568] : memref<100000x128xf32, #tpu.memory_space<hbm>> -> memref<100000x128xf32, #tpu.memory_space<hbm>>
    tpu.wait_indirect_dma semaphore(%arg20 : memref<!tpu.dma_semaphore, #tpu.memory_space<semaphore_mem>>) src(%dma_wait3A_569 : memref<100000x128xf32, #tpu.memory_space<hbm>>) dst(%arg14 : memref<128x128xf32, #tpu.memory_space<vmem>>)
    %dma_wait3A_570 = arith.constant 256 : i32
    %dma_wait3A_571 = tpu.memref_slice %arg10[%dma_wait3A_570] : memref<512xi32, #tpu.memory_space<vmem>> -> memref<128xi32, #tpu.memory_space<vmem>>
    %dma_wait3A_572 = arith.constant 0 : i32
    %dma_wait3A_573 = arith.constant 0 : i32
    %dma_wait3A_574 = tpu.memref_slice %arg5[%dma_wait3A_572, %dma_wait3A_573] : memref<100000x128xf32, #tpu.memory_space<hbm>> -> memref<100000x128xf32, #tpu.memory_space<hbm>>
    tpu.wait_indirect_dma semaphore(%arg20 : memref<!tpu.dma_semaphore, #tpu.memory_space<semaphore_mem>>) src(%dma_wait3A_574 : memref<100000x128xf32, #tpu.memory_space<hbm>>) dst(%arg15 : memref<128x128xf32, #tpu.memory_space<vmem>>)
    %dma_start3A_575 = arith.constant 384 : i32
    %dma_start3A_576 = tpu.memref_slice %arg9[%dma_start3A_575] : memref<512xi32, #tpu.memory_space<vmem>> -> memref<128xi32, #tpu.memory_space<vmem>>
    %dma_start3A_577 = arith.constant 0 : i32
    %dma_start3A_578 = arith.constant 0 : i32
    %dma_start3A_579 = tpu.memref_slice %arg5[%dma_start3A_577, %dma_start3A_578] : memref<100000x128xf32, #tpu.memory_space<hbm>> -> memref<100000x128xf32, #tpu.memory_space<hbm>>
    tpu.enqueue_indirect_dma source(%dma_start3A_579 : memref<100000x128xf32, #tpu.memory_space<hbm>>) target(%arg16 : memref<128x128xf32, #tpu.memory_space<vmem>>) offsets(%dma_start3A_576 : memref<128xi32, #tpu.memory_space<vmem>>) semaphore(%arg20 : memref<!tpu.dma_semaphore, #tpu.memory_space<semaphore_mem>>)
    %dma_start3A_580 = arith.constant 384 : i32
    %dma_start3A_581 = tpu.memref_slice %arg11[%dma_start3A_580] : memref<512xi32, #tpu.memory_space<vmem>> -> memref<128xi32, #tpu.memory_space<vmem>>
    %dma_start3A_582 = arith.constant 0 : i32
    %dma_start3A_583 = arith.constant 0 : i32
    %dma_start3A_584 = tpu.memref_slice %arg5[%dma_start3A_582, %dma_start3A_583] : memref<100000x128xf32, #tpu.memory_space<hbm>> -> memref<100000x128xf32, #tpu.memory_space<hbm>>
    tpu.enqueue_indirect_dma source(%dma_start3A_584 : memref<100000x128xf32, #tpu.memory_space<hbm>>) target(%arg17 : memref<128x128xf32, #tpu.memory_space<vmem>>) offsets(%dma_start3A_581 : memref<128xi32, #tpu.memory_space<vmem>>) semaphore(%arg20 : memref<!tpu.dma_semaphore, #tpu.memory_space<semaphore_mem>>)
    %dma_start3A_585 = arith.constant 384 : i32
    %dma_start3A_586 = tpu.memref_slice %arg10[%dma_start3A_585] : memref<512xi32, #tpu.memory_space<vmem>> -> memref<128xi32, #tpu.memory_space<vmem>>
    %dma_start3A_587 = arith.constant 0 : i32
    %dma_start3A_588 = arith.constant 0 : i32
    %dma_start3A_589 = tpu.memref_slice %arg5[%dma_start3A_587, %dma_start3A_588] : memref<100000x128xf32, #tpu.memory_space<hbm>> -> memref<100000x128xf32, #tpu.memory_space<hbm>>
    tpu.enqueue_indirect_dma source(%dma_start3A_589 : memref<100000x128xf32, #tpu.memory_space<hbm>>) target(%arg18 : memref<128x128xf32, #tpu.memory_space<vmem>>) offsets(%dma_start3A_586 : memref<128xi32, #tpu.memory_space<vmem>>) semaphore(%arg20 : memref<!tpu.dma_semaphore, #tpu.memory_space<semaphore_mem>>)
    %iota3A_590 = tpu.iota {dimensions = array<i32: 0>} : vector<16xi32>
    %scan3A_591 = arith.constant 0 : i32
    %scan3A_592 = arith.constant 128 : i32
    %scan3A_593 = arith.addi %scan3A_591, %scan3A_592 : i32
    %scan3A_594 = arith.constant 1 : i32
    scf.for %scan3A_645 = %scan3A_591 to %scan3A_593 step %scan3A_594  : i32 {
      %get3A_646 = arith.index_cast %scan3A_645 : i32 to index
      %get3A_647 = arith.constant 32 : index
      %get3A_648 = tpu.vector_load %arg15[%get3A_646, %get3A_647] {strides = array<i32>} : memref<128x128xf32, #tpu.memory_space<vmem>>, vector<1x16xf32>,
      %get3A_649 = vector.shape_cast %get3A_648 : vector<1x16xf32> to vector<16xf32>
      %get3A_650 = arith.index_cast %scan3A_645 : i32 to index
      %get3A_651 = arith.constant 32 : index
      %get3A_652 = tpu.vector_load %arg14[%get3A_650, %get3A_651] {strides = array<i32>} : memref<128x128xf32, #tpu.memory_space<vmem>>, vector<1x16xf32>,
      %get3A_653 = vector.shape_cast %get3A_652 : vector<1x16xf32> to vector<16xf32>
      %lt3A = arith.constant 8 : i32
      %lt3A_654 = vector.broadcast %lt3A : i32 to vector<16xi32>
      %lt3A_655 = arith.cmpi slt, %iota3A_590, %lt3A_654 : vector<16xi32>
      %select_n3A = arith.select %lt3A_655, %get3A_649, %get3A_653 : vector<16xi1>, vector<16xf32>
      %swap3A_656 = arith.index_cast %scan3A_645 : i32 to index
      %swap3A_657 = arith.constant 32 : index
      %swap3A_658 = tpu.vector_load %arg13[%swap3A_656, %swap3A_657] {strides = array<i32>} : memref<128x128xf32, #tpu.memory_space<vmem>>, vector<1x16xf32>,
      %swap3A_659 = vector.shape_cast %swap3A_658 : vector<1x16xf32> to vector<16xf32>
      %swap3A_660 = vector.shape_cast %select_n3A : vector<16xf32> to vector<1x16xf32>
      tpu.vector_store %arg13[%swap3A_656, %swap3A_657], %swap3A_660 {strides = array<i32>} : memref<128x128xf32, #tpu.memory_space<vmem>>, vector<1x16xf32>,
      %get3A_661 = arith.index_cast %scan3A_645 : i32 to index
      %get3A_662 = arith.constant 48 : index
      %get3A_663 = tpu.vector_load %arg14[%get3A_661, %get3A_662] {strides = array<i32>} : memref<128x128xf32, #tpu.memory_space<vmem>>, vector<1x16xf32>,
      %get3A_664 = vector.shape_cast %get3A_663 : vector<1x16xf32> to vector<16xf32>
      %swap3A_665 = arith.index_cast %scan3A_645 : i32 to index
      %swap3A_666 = arith.constant 48 : index
      %swap3A_667 = tpu.vector_load %arg13[%swap3A_665, %swap3A_666] {strides = array<i32>} : memref<128x128xf32, #tpu.memory_space<vmem>>, vector<1x16xf32>,
      %swap3A_668 = vector.shape_cast %swap3A_667 : vector<1x16xf32> to vector<16xf32>
      %swap3A_669 = vector.shape_cast %get3A_664 : vector<16xf32> to vector<1x16xf32>
      tpu.vector_store %arg13[%swap3A_665, %swap3A_666], %swap3A_669 {strides = array<i32>} : memref<128x128xf32, #tpu.memory_space<vmem>>, vector<1x16xf32>,
    }
    %scan3A_595 = arith.constant 128 : i32
    %add3A_596 = arith.constant 256 : i32
    %add3A_597 = arith.addi %mul3A_2, %add3A_596 : i32
    "tpu.region"() ({
      %run_scoped3A = tpu.sem_alloc : memref<!tpu.dma_semaphore, #tpu.memory_space<semaphore_mem>>
      %dma_start3A_645 = arith.constant 0 : i32
      %dma_start3A_646 = tpu.memref_slice %arg7[%add3A_597, %dma_start3A_645] : memref<16384x128xf32, #tpu.memory_space<hbm>> -> memref<128x128xf32, #tpu.memory_space<hbm>>
      %dma_start3A_647 = arith.constant 0 : i32
      %dma_start3A_648 = tpu.memref_slice %arg7[%add3A_597, %dma_start3A_647] : memref<16384x128xf32, #tpu.memory_space<hbm>> -> memref<128x128xf32, #tpu.memory_space<hbm>>
      tpu.enqueue_dma source(%arg13 : memref<128x128xf32, #tpu.memory_space<vmem>>) target(%dma_start3A_648 : memref<128x128xf32, #tpu.memory_space<hbm>>) target_semaphore(%run_scoped3A : memref<!tpu.dma_semaphore, #tpu.memory_space<semaphore_mem>>)
      %dma_wait3A_649 = arith.constant 0 : i32
      %dma_wait3A_650 = tpu.memref_slice %arg7[%add3A_597, %dma_wait3A_649] : memref<16384x128xf32, #tpu.memory_space<hbm>> -> memref<128x128xf32, #tpu.memory_space<hbm>>
      %dma_wait3A_651 = arith.constant 0 : i32
      %dma_wait3A_652 = tpu.memref_slice %arg7[%add3A_597, %dma_wait3A_651] : memref<16384x128xf32, #tpu.memory_space<hbm>> -> memref<128x128xf32, #tpu.memory_space<hbm>>
      tpu.wait_dma2 semaphore(%run_scoped3A : memref<!tpu.dma_semaphore, #tpu.memory_space<semaphore_mem>>) src(%arg13 : memref<128x128xf32, #tpu.memory_space<vmem>>) dst(%dma_wait3A_652 : memref<128x128xf32, #tpu.memory_space<hbm>>)
      tpu.yield
    }) : () -> ()
    %dma_wait3A_598 = arith.constant 384 : i32
    %dma_wait3A_599 = tpu.memref_slice %arg9[%dma_wait3A_598] : memref<512xi32, #tpu.memory_space<vmem>> -> memref<128xi32, #tpu.memory_space<vmem>>
    %dma_wait3A_600 = arith.constant 0 : i32
    %dma_wait3A_601 = arith.constant 0 : i32
    %dma_wait3A_602 = tpu.memref_slice %arg5[%dma_wait3A_600, %dma_wait3A_601] : memref<100000x128xf32, #tpu.memory_space<hbm>> -> memref<100000x128xf32, #tpu.memory_space<hbm>>
    tpu.wait_indirect_dma semaphore(%arg20 : memref<!tpu.dma_semaphore, #tpu.memory_space<semaphore_mem>>) src(%dma_wait3A_602 : memref<100000x128xf32, #tpu.memory_space<hbm>>) dst(%arg16 : memref<128x128xf32, #tpu.memory_space<vmem>>)
    %dma_wait3A_603 = arith.constant 384 : i32
    %dma_wait3A_604 = tpu.memref_slice %arg11[%dma_wait3A_603] : memref<512xi32, #tpu.memory_space<vmem>> -> memref<128xi32, #tpu.memory_space<vmem>>
    %dma_wait3A_605 = arith.constant 0 : i32
    %dma_wait3A_606 = arith.constant 0 : i32
    %dma_wait3A_607 = tpu.memref_slice %arg5[%dma_wait3A_605, %dma_wait3A_606] : memref<100000x128xf32, #tpu.memory_space<hbm>> -> memref<100000x128xf32, #tpu.memory_space<hbm>>
    tpu.wait_indirect_dma semaphore(%arg20 : memref<!tpu.dma_semaphore, #tpu.memory_space<semaphore_mem>>) src(%dma_wait3A_607 : memref<100000x128xf32, #tpu.memory_space<hbm>>) dst(%arg17 : memref<128x128xf32, #tpu.memory_space<vmem>>)
    %dma_wait3A_608 = arith.constant 384 : i32
    %dma_wait3A_609 = tpu.memref_slice %arg10[%dma_wait3A_608] : memref<512xi32, #tpu.memory_space<vmem>> -> memref<128xi32, #tpu.memory_space<vmem>>
    %dma_wait3A_610 = arith.constant 0 : i32
    %dma_wait3A_611 = arith.constant 0 : i32
    %dma_wait3A_612 = tpu.memref_slice %arg5[%dma_wait3A_610, %dma_wait3A_611] : memref<100000x128xf32, #tpu.memory_space<hbm>> -> memref<100000x128xf32, #tpu.memory_space<hbm>>
    tpu.wait_indirect_dma semaphore(%arg20 : memref<!tpu.dma_semaphore, #tpu.memory_space<semaphore_mem>>) src(%dma_wait3A_612 : memref<100000x128xf32, #tpu.memory_space<hbm>>) dst(%arg18 : memref<128x128xf32, #tpu.memory_space<vmem>>)
    %iota3A_613 = tpu.iota {dimensions = array<i32: 0>} : vector<16xi32>
    %scan3A_614 = arith.constant 0 : i32
    %scan3A_615 = arith.constant 128 : i32
    %scan3A_616 = arith.addi %scan3A_614, %scan3A_615 : i32
    %scan3A_617 = arith.constant 1 : i32
    scf.for %scan3A_645 = %scan3A_614 to %scan3A_616 step %scan3A_617  : i32 {
      %get3A_646 = arith.index_cast %scan3A_645 : i32 to index
      %get3A_647 = arith.constant 32 : index
      %get3A_648 = tpu.vector_load %arg18[%get3A_646, %get3A_647] {strides = array<i32>} : memref<128x128xf32, #tpu.memory_space<vmem>>, vector<1x16xf32>,
      %get3A_649 = vector.shape_cast %get3A_648 : vector<1x16xf32> to vector<16xf32>
      %get3A_650 = arith.index_cast %scan3A_645 : i32 to index
      %get3A_651 = arith.constant 32 : index
      %get3A_652 = tpu.vector_load %arg17[%get3A_650, %get3A_651] {strides = array<i32>} : memref<128x128xf32, #tpu.memory_space<vmem>>, vector<1x16xf32>,
      %get3A_653 = vector.shape_cast %get3A_652 : vector<1x16xf32> to vector<16xf32>
      %lt3A = arith.constant 8 : i32
      %lt3A_654 = vector.broadcast %lt3A : i32 to vector<16xi32>
      %lt3A_655 = arith.cmpi slt, %iota3A_613, %lt3A_654 : vector<16xi32>
      %select_n3A = arith.select %lt3A_655, %get3A_649, %get3A_653 : vector<16xi1>, vector<16xf32>
      %swap3A_656 = arith.index_cast %scan3A_645 : i32 to index
      %swap3A_657 = arith.constant 32 : index
      %swap3A_658 = tpu.vector_load %arg16[%swap3A_656, %swap3A_657] {strides = array<i32>} : memref<128x128xf32, #tpu.memory_space<vmem>>, vector<1x16xf32>,
      %swap3A_659 = vector.shape_cast %swap3A_658 : vector<1x16xf32> to vector<16xf32>
      %swap3A_660 = vector.shape_cast %select_n3A : vector<16xf32> to vector<1x16xf32>
      tpu.vector_store %arg16[%swap3A_656, %swap3A_657], %swap3A_660 {strides = array<i32>} : memref<128x128xf32, #tpu.memory_space<vmem>>, vector<1x16xf32>,
      %get3A_661 = arith.index_cast %scan3A_645 : i32 to index
      %get3A_662 = arith.constant 48 : index
      %get3A_663 = tpu.vector_load %arg17[%get3A_661, %get3A_662] {strides = array<i32>} : memref<128x128xf32, #tpu.memory_space<vmem>>, vector<1x16xf32>,
      %get3A_664 = vector.shape_cast %get3A_663 : vector<1x16xf32> to vector<16xf32>
      %swap3A_665 = arith.index_cast %scan3A_645 : i32 to index
      %swap3A_666 = arith.constant 48 : index
      %swap3A_667 = tpu.vector_load %arg16[%swap3A_665, %swap3A_666] {strides = array<i32>} : memref<128x128xf32, #tpu.memory_space<vmem>>, vector<1x16xf32>,
      %swap3A_668 = vector.shape_cast %swap3A_667 : vector<1x16xf32> to vector<16xf32>
      %swap3A_669 = vector.shape_cast %get3A_664 : vector<16xf32> to vector<1x16xf32>
      tpu.vector_store %arg16[%swap3A_665, %swap3A_666], %swap3A_669 {strides = array<i32>} : memref<128x128xf32, #tpu.memory_space<vmem>>, vector<1x16xf32>,
    }
    %scan3A_618 = arith.constant 128 : i32
    %add3A_619 = arith.constant 384 : i32
    %add3A_620 = arith.addi %mul3A_2, %add3A_619 : i32
    "tpu.region"() ({
      %run_scoped3A = tpu.sem_alloc : memref<!tpu.dma_semaphore, #tpu.memory_space<semaphore_mem>>
      %dma_start3A_645 = arith.constant 0 : i32
      %dma_start3A_646 = tpu.memref_slice %arg7[%add3A_620, %dma_start3A_645] : memref<16384x128xf32, #tpu.memory_space<hbm>> -> memref<128x128xf32, #tpu.memory_space<hbm>>
      %dma_start3A_647 = arith.constant 0 : i32
      %dma_start3A_648 = tpu.memref_slice %arg7[%add3A_620, %dma_start3A_647] : memref<16384x128xf32, #tpu.memory_space<hbm>> -> memref<128x128xf32, #tpu.memory_space<hbm>>
      tpu.enqueue_dma source(%arg16 : memref<128x128xf32, #tpu.memory_space<vmem>>) target(%dma_start3A_648 : memref<128x128xf32, #tpu.memory_space<hbm>>) target_semaphore(%run_scoped3A : memref<!tpu.dma_semaphore, #tpu.memory_space<semaphore_mem>>)
      %dma_wait3A_649 = arith.constant 0 : i32
      %dma_wait3A_650 = tpu.memref_slice %arg7[%add3A_620, %dma_wait3A_649] : memref<16384x128xf32, #tpu.memory_space<hbm>> -> memref<128x128xf32, #tpu.memory_space<hbm>>
      %dma_wait3A_651 = arith.constant 0 : i32
      %dma_wait3A_652 = tpu.memref_slice %arg7[%add3A_620, %dma_wait3A_651] : memref<16384x128xf32, #tpu.memory_space<hbm>> -> memref<128x128xf32, #tpu.memory_space<hbm>>
      tpu.wait_dma2 semaphore(%run_scoped3A : memref<!tpu.dma_semaphore, #tpu.memory_space<semaphore_mem>>) src(%arg16 : memref<128x128xf32, #tpu.memory_space<vmem>>) dst(%dma_wait3A_652 : memref<128x128xf32, #tpu.memory_space<hbm>>)
      tpu.yield
    }) : () -> ()
    %dma_wait3A_621 = arith.constant 0 : i32
    %dma_wait3A_622 = tpu.memref_slice %arg19[%dma_wait3A_621] : memref<512xf32, #tpu.memory_space<vmem>> -> memref<128xf32, #tpu.memory_space<vmem>>
    %dma_wait3A_623 = arith.constant 0 : i32
    %dma_wait3A_624 = tpu.memref_slice %arg12[%dma_wait3A_623] : memref<512xi32, #tpu.memory_space<vmem>> -> memref<128xi32, #tpu.memory_space<vmem>>
    %dma_wait3A_625 = arith.constant 0 : i32
    %dma_wait3A_626 = tpu.memref_slice %arg6[%dma_wait3A_625] : memref<28800000xf32, #tpu.memory_space<hbm>> -> memref<28800000xf32, #tpu.memory_space<hbm>>
    tpu.wait_indirect_dma semaphore(%arg21 : memref<!tpu.dma_semaphore, #tpu.memory_space<semaphore_mem>>) src(%dma_wait3A_626 : memref<28800000xf32, #tpu.memory_space<hbm>>) dst(%dma_wait3A_622 : memref<128xf32, #tpu.memory_space<vmem>>)
    %dma_wait3A_627 = arith.constant 128 : i32
    %dma_wait3A_628 = tpu.memref_slice %arg19[%dma_wait3A_627] : memref<512xf32, #tpu.memory_space<vmem>> -> memref<128xf32, #tpu.memory_space<vmem>>
    %dma_wait3A_629 = arith.constant 128 : i32
    %dma_wait3A_630 = tpu.memref_slice %arg12[%dma_wait3A_629] : memref<512xi32, #tpu.memory_space<vmem>> -> memref<128xi32, #tpu.memory_space<vmem>>
    %dma_wait3A_631 = arith.constant 0 : i32
    %dma_wait3A_632 = tpu.memref_slice %arg6[%dma_wait3A_631] : memref<28800000xf32, #tpu.memory_space<hbm>> -> memref<28800000xf32, #tpu.memory_space<hbm>>
    tpu.wait_indirect_dma semaphore(%arg21 : memref<!tpu.dma_semaphore, #tpu.memory_space<semaphore_mem>>) src(%dma_wait3A_632 : memref<28800000xf32, #tpu.memory_space<hbm>>) dst(%dma_wait3A_628 : memref<128xf32, #tpu.memory_space<vmem>>)
    %dma_wait3A_633 = arith.constant 256 : i32
    %dma_wait3A_634 = tpu.memref_slice %arg19[%dma_wait3A_633] : memref<512xf32, #tpu.memory_space<vmem>> -> memref<128xf32, #tpu.memory_space<vmem>>
    %dma_wait3A_635 = arith.constant 256 : i32
    %dma_wait3A_636 = tpu.memref_slice %arg12[%dma_wait3A_635] : memref<512xi32, #tpu.memory_space<vmem>> -> memref<128xi32, #tpu.memory_space<vmem>>
    %dma_wait3A_637 = arith.constant 0 : i32
    %dma_wait3A_638 = tpu.memref_slice %arg6[%dma_wait3A_637] : memref<28800000xf32, #tpu.memory_space<hbm>> -> memref<28800000xf32, #tpu.memory_space<hbm>>
    tpu.wait_indirect_dma semaphore(%arg21 : memref<!tpu.dma_semaphore, #tpu.memory_space<semaphore_mem>>) src(%dma_wait3A_638 : memref<28800000xf32, #tpu.memory_space<hbm>>) dst(%dma_wait3A_634 : memref<128xf32, #tpu.memory_space<vmem>>)
    %dma_wait3A_639 = arith.constant 384 : i32
    %dma_wait3A_640 = tpu.memref_slice %arg19[%dma_wait3A_639] : memref<512xf32, #tpu.memory_space<vmem>> -> memref<128xf32, #tpu.memory_space<vmem>>
    %dma_wait3A_641 = arith.constant 384 : i32
    %dma_wait3A_642 = tpu.memref_slice %arg12[%dma_wait3A_641] : memref<512xi32, #tpu.memory_space<vmem>> -> memref<128xi32, #tpu.memory_space<vmem>>
    %dma_wait3A_643 = arith.constant 0 : i32
    %dma_wait3A_644 = tpu.memref_slice %arg6[%dma_wait3A_643] : memref<28800000xf32, #tpu.memory_space<hbm>> -> memref<28800000xf32, #tpu.memory_space<hbm>>
    tpu.wait_indirect_dma semaphore(%arg21 : memref<!tpu.dma_semaphore, #tpu.memory_space<semaphore_mem>>) src(%dma_wait3A_644 : memref<28800000xf32, #tpu.memory_space<hbm>>) dst(%dma_wait3A_640 : memref<128xf32, #tpu.memory_space<vmem>>)
    "tpu.region"() ({
      %run_scoped3A = tpu.sem_alloc : memref<!tpu.dma_semaphore, #tpu.memory_space<semaphore_mem>>
      %dma_start3A_645 = tpu.memref_slice %arg8[%mul3A_2] : memref<16384xf32, #tpu.memory_space<hbm>> -> memref<512xf32, #tpu.memory_space<hbm>>
      %dma_start3A_646 = tpu.memref_slice %arg8[%mul3A_2] : memref<16384xf32, #tpu.memory_space<hbm>> -> memref<512xf32, #tpu.memory_space<hbm>>
      tpu.enqueue_dma source(%arg19 : memref<512xf32, #tpu.memory_space<vmem>>) target(%dma_start3A_646 : memref<512xf32, #tpu.memory_space<hbm>>) target_semaphore(%run_scoped3A : memref<!tpu.dma_semaphore, #tpu.memory_space<semaphore_mem>>)
      %dma_wait3A_647 = tpu.memref_slice %arg8[%mul3A_2] : memref<16384xf32, #tpu.memory_space<hbm>> -> memref<512xf32, #tpu.memory_space<hbm>>
      %dma_wait3A_648 = tpu.memref_slice %arg8[%mul3A_2] : memref<16384xf32, #tpu.memory_space<hbm>> -> memref<512xf32, #tpu.memory_space<hbm>>
      tpu.wait_dma2 semaphore(%run_scoped3A : memref<!tpu.dma_semaphore, #tpu.memory_space<semaphore_mem>>) src(%arg19 : memref<512xf32, #tpu.memory_space<vmem>>) dst(%dma_wait3A_648 : memref<512xf32, #tpu.memory_space<hbm>>)
      tpu.yield
    }) : () -> ()
    return
  }
}

module attributes {stable_mosaic.version = 14 : i64} {
  func.func @_tc_mlp_kernel(%arg0: i32, %arg1: memref<4096x128xf32, #tpu.memory_space<vmem>>, %arg2: memref<4096xf32, #tpu.memory_space<vmem>>, %arg3: memref<56x128xf32, #tpu.memory_space<vmem>>, %arg4: memref<1x128xf32, #tpu.memory_space<vmem>>, %arg5: memref<128x64xf32, #tpu.memory_space<vmem>>, %arg6: memref<1x64xf32, #tpu.memory_space<vmem>>, %arg7: memref<1x64xf32, #tpu.memory_space<vmem>>, %arg8: memref<1xf32, #tpu.memory_space<vmem>>, %arg9: memref<4096xf32, #tpu.memory_space<vmem>>) attributes {dimension_semantics = [#tpu.dimension_semantics<arbitrary>], iteration_bounds = array<i64: 4>, scalar_prefetch = 0 : i64, scratch_operands = 0 : i64, tpu.core_type = #tpu.core_type<tc>, window_params = [{transform_indices = @transform_0, window_bounds = array<i64: 4096, 128>}, {transform_indices = @transform_1, window_bounds = array<i64: 4096>}, {pipeline_mode = #tpu.pipeline_mode<synchronous>, transform_indices = @transform_2, window_bounds = array<i64: 56, 128>}, {pipeline_mode = #tpu.pipeline_mode<synchronous>, transform_indices = @transform_3, window_bounds = array<i64: 1, 128>}, {pipeline_mode = #tpu.pipeline_mode<synchronous>, transform_indices = @transform_4, window_bounds = array<i64: 128, 64>}, {pipeline_mode = #tpu.pipeline_mode<synchronous>, transform_indices = @transform_5, window_bounds = array<i64: 1, 64>}, {pipeline_mode = #tpu.pipeline_mode<synchronous>, transform_indices = @transform_6, window_bounds = array<i64: 1, 64>}, {pipeline_mode = #tpu.pipeline_mode<synchronous>, transform_indices = @transform_7, window_bounds = array<i64: 1>}, {transform_indices = @transform_8, window_bounds = array<i64: 4096>}]} {
    %get3A = arith.constant 0 : index
    %get3A_0 = arith.constant 0 : index
    %get3A_1 = vector.load %arg1[%get3A, %get3A_0] : memref<4096x128xf32, #tpu.memory_space<vmem>>, vector<4096x128xf32>
    %slice3A = vector.extract_strided_slice %get3A_1 {offsets = [0, 0], sizes = [4096, 56], strides = [1, 1]} : vector<4096x128xf32> to vector<4096x56xf32>
    %get3A_2 = arith.constant 0 : index
    %get3A_3 = arith.constant 0 : index
    %get3A_4 = vector.load %arg3[%get3A_2, %get3A_3] : memref<56x128xf32, #tpu.memory_space<vmem>>, vector<56x128xf32>
    %dot_general3A = arith.constant dense<0.000000e+00> : vector<4096x128xf32>
    %dot_general3A_5 = tpu.matmul %slice3A, %get3A_4, %dot_general3A {dimension_numbers = #tpu.dot_dimension_numbers<[1], [0], [0], [1], [0, 0, 1, 1], [], []>, transpose_lhs_hint = false} : vector<4096x56xf32>, vector<56x128xf32>, vector<4096x128xf32> -> vector<4096x128xf32>
    %get3A_6 = arith.constant 0 : index
    %get3A_7 = arith.constant 0 : index
    %get3A_8 = vector.load %arg4[%get3A_6, %get3A_7] : memref<1x128xf32, #tpu.memory_space<vmem>>, vector<1x128xf32>
    %add3A = vector.broadcast %get3A_8 : vector<1x128xf32> to vector<4096x128xf32>
    %add3A_9 = arith.addf %dot_general3A_5, %add3A : vector<4096x128xf32>
    %max3A = arith.constant 0.000000e+00 : f32
    %max3A_10 = vector.broadcast %max3A : f32 to vector<4096x128xf32>
    %max3A_11 = arith.maximumf %add3A_9, %max3A_10 : vector<4096x128xf32>
    %get3A_12 = arith.constant 0 : index
    %get3A_13 = arith.constant 0 : index
    %get3A_14 = vector.load %arg5[%get3A_12, %get3A_13] : memref<128x64xf32, #tpu.memory_space<vmem>>, vector<128x64xf32>
    %dot_general3A_15 = arith.constant dense<0.000000e+00> : vector<4096x64xf32>
    %dot_general3A_16 = tpu.matmul %max3A_11, %get3A_14, %dot_general3A_15 {dimension_numbers = #tpu.dot_dimension_numbers<[1], [0], [0], [1], [0, 0, 1, 1], [], []>, transpose_lhs_hint = false} : vector<4096x128xf32>, vector<128x64xf32>, vector<4096x64xf32> -> vector<4096x64xf32>
    %get3A_17 = arith.constant 0 : index
    %get3A_18 = arith.constant 0 : index
    %get3A_19 = vector.load %arg6[%get3A_17, %get3A_18] : memref<1x64xf32, #tpu.memory_space<vmem>>, vector<1x64xf32>
    %add3A_20 = vector.broadcast %get3A_19 : vector<1x64xf32> to vector<4096x64xf32>
    %add3A_21 = arith.addf %dot_general3A_16, %add3A_20 : vector<4096x64xf32>
    %max3A_22 = arith.constant 0.000000e+00 : f32
    %max3A_23 = vector.broadcast %max3A_22 : f32 to vector<4096x64xf32>
    %max3A_24 = arith.maximumf %add3A_21, %max3A_23 : vector<4096x64xf32>
    %get3A_25 = arith.constant 0 : index
    %get3A_26 = arith.constant 0 : index
    %get3A_27 = vector.load %arg7[%get3A_25, %get3A_26] : memref<1x64xf32, #tpu.memory_space<vmem>>, vector<1x64xf32>
    %mul3A = vector.broadcast %get3A_27 : vector<1x64xf32> to vector<4096x64xf32>
    %mul3A_28 = arith.mulf %max3A_24, %mul3A : vector<4096x64xf32>
    %reduce_sum3A = arith.constant dense<0.000000e+00> : vector<4096xf32>
    %reduce_sum3A_29 = vector.multi_reduction <add>, %mul3A_28, %reduce_sum3A [1] : vector<4096x64xf32> to vector<4096xf32>
    %get3A_30 = arith.constant 0 : index
    %get3A_31 = vector.load %arg8[%get3A_30] : memref<1xf32, #tpu.memory_space<vmem>>, vector<1xf32>
    %add3A_32 = vector.broadcast %get3A_31 : vector<1xf32> to vector<4096xf32>
    %add3A_33 = arith.addf %reduce_sum3A_29, %add3A_32 : vector<4096xf32>
    %get3A_34 = arith.constant 0 : index
    %get3A_35 = vector.load %arg2[%get3A_34] : memref<4096xf32, #tpu.memory_space<vmem>>, vector<4096xf32>
    %add3A_36 = arith.addf %add3A_33, %get3A_35 : vector<4096xf32>
    %swap3A = arith.constant 0 : index
    %swap3A_37 = vector.load %arg9[%swap3A] : memref<4096xf32, #tpu.memory_space<vmem>>, vector<4096xf32>
    tpu.vector_store %arg9[%swap3A], %add3A_36 {strides = array<i32>} : memref<4096xf32, #tpu.memory_space<vmem>>, vector<4096xf32>,
    return
  }
  func.func @transform_0(%arg0: i32) -> (i32, i32) {
    %c0_i32 = arith.constant 0 : i32
    %c0_i32_0 = arith.constant 0 : i32
    return %arg0, %c0_i32 : i32, i32
  }
  func.func @transform_1(%arg0: i32) -> i32 {
    %c0_i32 = arith.constant 0 : i32
    return %arg0 : i32
  }
  func.func @transform_2(%arg0: i32) -> (i32, i32) {
    %c0_i32 = arith.constant 0 : i32
    %c0_i32_0 = arith.constant 0 : i32
    %c0_i32_1 = arith.constant 0 : i32
    return %c0_i32, %c0_i32_0 : i32, i32
  }
  func.func @transform_3(%arg0: i32) -> (i32, i32) {
    %c0_i32 = arith.constant 0 : i32
    %c0_i32_0 = arith.constant 0 : i32
    %c0_i32_1 = arith.constant 0 : i32
    return %c0_i32, %c0_i32_0 : i32, i32
  }
  func.func @transform_4(%arg0: i32) -> (i32, i32) {
    %c0_i32 = arith.constant 0 : i32
    %c0_i32_0 = arith.constant 0 : i32
    %c0_i32_1 = arith.constant 0 : i32
    return %c0_i32, %c0_i32_0 : i32, i32
  }
  func.func @transform_5(%arg0: i32) -> (i32, i32) {
    %c0_i32 = arith.constant 0 : i32
    %c0_i32_0 = arith.constant 0 : i32
    %c0_i32_1 = arith.constant 0 : i32
    return %c0_i32, %c0_i32_0 : i32, i32
  }
  func.func @transform_6(%arg0: i32) -> (i32, i32) {
    %c0_i32 = arith.constant 0 : i32
    %c0_i32_0 = arith.constant 0 : i32
    %c0_i32_1 = arith.constant 0 : i32
    return %c0_i32, %c0_i32_0 : i32, i32
  }
  func.func @transform_7(%arg0: i32) -> i32 {
    %c0_i32 = arith.constant 0 : i32
    %c0_i32_0 = arith.constant 0 : i32
    return %c0_i32 : i32
  }
  func.func @transform_8(%arg0: i32) -> i32 {
    %c0_i32 = arith.constant 0 : i32
    return %arg0 : i32
  }
}

module attributes {stable_mosaic.version = 14 : i64} {
  func.func @_repack_kernel(%arg0: i32, %arg1: memref<32x8192xf32, #tpu.memory_space<vmem>>, %arg2: memref<16x8192xf32, #tpu.memory_space<vmem>>, %arg3: memref<8x288xf32, #tpu.memory_space<vmem>>, %arg4: memref<8192x128xf32, #tpu.memory_space<vmem>>) attributes {dimension_semantics = [#tpu.dimension_semantics<arbitrary>], iteration_bounds = array<i64: 13>, scalar_prefetch = 0 : i64, scratch_operands = 0 : i64, tpu.core_type = #tpu.core_type<tc>, window_params = [{transform_indices = @transform_0, window_bounds = array<i64: 32, 8192>}, {transform_indices = @transform_1, window_bounds = array<i64: 16, 8192>}, {pipeline_mode = #tpu.pipeline_mode<synchronous>, transform_indices = @transform_2, window_bounds = array<i64: 8, 288>}, {transform_indices = @transform_3, window_bounds = array<i64: 8192, 128>}]} {
    %iota3A = tpu.iota {dimensions = array<i32: 0>} : vector<32x128xi32>
    %iota3A_0 = tpu.iota {dimensions = array<i32: 1>} : vector<32x128xi32>
    %add3A = arith.constant 0 : i32
    %add3A_1 = vector.broadcast %add3A : i32 to vector<32x128xi32>
    %add3A_2 = arith.addi %iota3A, %add3A_1 : vector<32x128xi32>
    %eq3A = arith.cmpi eq, %add3A_2, %iota3A_0 : vector<32x128xi32>
    %convert_element_type3A = arith.extui %eq3A : vector<32x128xi1> to vector<32x128xi32>
    %convert_element_type3A_3 = arith.sitofp %convert_element_type3A : vector<32x128xi32> to vector<32x128xf32>
    %iota3A_4 = tpu.iota {dimensions = array<i32: 0>} : vector<16x128xi32>
    %iota3A_5 = tpu.iota {dimensions = array<i32: 1>} : vector<16x128xi32>
    %add3A_6 = arith.constant 40 : i32
    %add3A_7 = vector.broadcast %add3A_6 : i32 to vector<16x128xi32>
    %add3A_8 = arith.addi %iota3A_4, %add3A_7 : vector<16x128xi32>
    %eq3A_9 = arith.cmpi eq, %add3A_8, %iota3A_5 : vector<16x128xi32>
    %convert_element_type3A_10 = arith.extui %eq3A_9 : vector<16x128xi1> to vector<16x128xi32>
    %convert_element_type3A_11 = arith.sitofp %convert_element_type3A_10 : vector<16x128xi32> to vector<16x128xf32>
    %get3A = arith.constant 0 : index
    %get3A_12 = arith.constant 0 : index
    %get3A_13 = vector.load %arg1[%get3A, %get3A_12] : memref<32x8192xf32, #tpu.memory_space<vmem>>, vector<32x8192xf32>
    %dot_general3A = arith.constant dense<0.000000e+00> : vector<8192x128xf32>
    %dot_general3A_14 = tpu.matmul %get3A_13, %convert_element_type3A_3, %dot_general3A {dimension_numbers = #tpu.dot_dimension_numbers<[0], [0], [1], [1], [0, 1, 1, 1], [], []>, transpose_lhs_hint = false} : vector<32x8192xf32>, vector<32x128xf32>, vector<8192x128xf32> -> vector<8192x128xf32>
    %get3A_15 = arith.constant 0 : index
    %get3A_16 = arith.constant 0 : index
    %get3A_17 = vector.load %arg2[%get3A_15, %get3A_16] : memref<16x8192xf32, #tpu.memory_space<vmem>>, vector<16x8192xf32>
    %dot_general3A_18 = arith.constant dense<0.000000e+00> : vector<8192x128xf32>
    %dot_general3A_19 = tpu.matmul %get3A_17, %convert_element_type3A_11, %dot_general3A_18 {dimension_numbers = #tpu.dot_dimension_numbers<[0], [0], [1], [1], [0, 1, 1, 1], [], []>, transpose_lhs_hint = false} : vector<16x8192xf32>, vector<16x128xf32>, vector<8192x128xf32> -> vector<8192x128xf32>
    %add3A_20 = arith.addf %dot_general3A_14, %dot_general3A_19 : vector<8192x128xf32>
    %swap3A = arith.constant 0 : index
    %swap3A_21 = arith.constant 0 : index
    %swap3A_22 = vector.load %arg4[%swap3A, %swap3A_21] : memref<8192x128xf32, #tpu.memory_space<vmem>>, vector<8192x128xf32>
    tpu.vector_store %arg4[%swap3A, %swap3A_21], %add3A_20 {strides = array<i32>} : memref<8192x128xf32, #tpu.memory_space<vmem>>, vector<8192x128xf32>,
    %eq3A_23 = arith.constant 0 : i32
    %eq3A_24 = arith.cmpi eq, %arg0, %eq3A_23 : i32
    %convert_element_type3A_25 = arith.extui %eq3A_24 : i1 to i32
    %cond3A = arith.constant 0 : i32
    %cond3A_26 = arith.cmpi ne, %convert_element_type3A_25, %cond3A : i32
    scf.if %cond3A_26 {
      %iota3A_27 = tpu.iota {dimensions = array<i32: 0>} : vector<8x8xi32>
      %iota3A_28 = tpu.iota {dimensions = array<i32: 1>} : vector<8x8xi32>
      %add3A_29 = arith.constant 0 : i32
      %add3A_30 = vector.broadcast %add3A_29 : i32 to vector<8x8xi32>
      %add3A_31 = arith.addi %iota3A_27, %add3A_30 : vector<8x8xi32>
      %eq3A_32 = arith.cmpi eq, %add3A_31, %iota3A_28 : vector<8x8xi32>
      %convert_element_type3A_33 = arith.extui %eq3A_32 : vector<8x8xi1> to vector<8x8xi32>
      %convert_element_type3A_34 = arith.sitofp %convert_element_type3A_33 : vector<8x8xi32> to vector<8x8xf32>
      %get3A_35 = arith.constant 0 : index
      %get3A_36 = arith.constant 0 : index
      %get3A_37 = vector.load %arg3[%get3A_35, %get3A_36] : memref<8x288xf32, #tpu.memory_space<vmem>>, vector<8x288xf32>
      %dot_general3A_38 = arith.constant dense<0.000000e+00> : vector<288x8xf32>
      %dot_general3A_39 = tpu.matmul %get3A_37, %convert_element_type3A_34, %dot_general3A_38 {dimension_numbers = #tpu.dot_dimension_numbers<[0], [0], [1], [1], [0, 1, 1, 1], [], []>, transpose_lhs_hint = false} : vector<8x288xf32>, vector<8x8xf32>, vector<288x8xf32> -> vector<288x8xf32>
      %swap3A_40 = arith.constant 0 : index
      %swap3A_41 = arith.constant 32 : index
      %swap3A_42 = vector.load %arg4[%swap3A_40, %swap3A_41] : memref<8192x128xf32, #tpu.memory_space<vmem>>, vector<288x8xf32>
      tpu.vector_store %arg4[%swap3A_40, %swap3A_41], %dot_general3A_39 {strides = array<i32>} : memref<8192x128xf32, #tpu.memory_space<vmem>>, vector<288x8xf32>,
    } else {
    }
    return
  }
  func.func @transform_0(%arg0: i32) -> (i32, i32) {
    %c0_i32 = arith.constant 0 : i32
    %c0_i32_0 = arith.constant 0 : i32
    return %c0_i32, %arg0 : i32, i32
  }
  func.func @transform_1(%arg0: i32) -> (i32, i32) {
    %c0_i32 = arith.constant 0 : i32
    %c0_i32_0 = arith.constant 0 : i32
    return %c0_i32, %arg0 : i32, i32
  }
  func.func @transform_2(%arg0: i32) -> (i32, i32) {
    %c0_i32 = arith.constant 0 : i32
    %c0_i32_0 = arith.constant 0 : i32
    %c0_i32_1 = arith.constant 0 : i32
    return %c0_i32, %c0_i32_0 : i32, i32
  }
  func.func @transform_3(%arg0: i32) -> (i32, i32) {
    %c0_i32 = arith.constant 0 : i32
    %c0_i32_0 = arith.constant 0 : i32
    return %arg0, %c0_i32 : i32, i32
  }
}

</mosaic_0001>

<sc_bundles>
// kernel: kernel.5.cloned.1.call-start
scs
__scs_entry_jumppad:
0x0: {  	(pc) =	sbr.rel $0x88, $3  }
0x1: {  	(tag) =	ssettag $0x0;
	lr =	simm.s32 $0x1  }
0x2: {  	[smem:$0x3F94] =	sst lr;
	_ =	strace $0xD0000000  }
0x3: {  	_ = 	snop  }
0x4: {  	_ = 	snop  }
0x5: {  	_ = 	snop  }
0x6: {  	_ = 	snop  }
0x7: {  	_ = 	snop  }
__scs_overlays_trampoline_lowered:
0x8: {  	[smem:$0x3FA3] =	sst s0  }
0x9: {  	[smem:$0x3FA4] =	sst s1  }
0xa: {  	[smem:$0x3FA5] =	sst s2  }
0xb: {  	[smem:$0x3FA6] =	sst s3  }
0xc: {  	[smem:$0x3FA7] =	sst s4  }
0xd: {  	[smem:$0x3FA8] =	sst s5  }
0xe: {  	[smem:$0x3FA9] =	sst s6  }
0xf: {  	[smem:$0x3FAA] =	sst s7  }
0x10: {  	[smem:$0x3FAB] =	sst s8  }
0x11: {  	[smem:$0x3FAC] =	sst s9;
	s0 =	simm.s32 @!p0 $0x0  }
0x12: {  	s1 =	sld [smem:$0x3F92];
	s0 =	simm.s32 @p0 $0x1  }
0x13: {  	[smem:$0x3FAD] =	sst s0;
	s0 =	simm.s32 @!p1 $0x0  }
0x14: {  	s2 =	sld [smem:$0x3F91];
	s0 =	simm.s32 @p1 $0x1  }
0x15: {  	[smem:$0x3FAE] =	sst s0;
	s0 =	simm.s32 @!p2 $0x0  }
0x16: {  	s3 =	sld [smem:$0x3FDB];
	s0 =	simm.s32 @p2 $0x1  }
0x17: {  	s4 =	simm.s32 $0x1BF5;
	[smem:$0x3FB0] =	sst s0  }
0x18: {  	s0 =	sld [smem:$0x3F93];
	_ =	swait.ge [sflag:s4], $0x0  }
0x19: {  	s7 =	sld [smem:$0x3F94]  }
0x1a: {  	s8 =	sadd.s32 $0xFFFFE003, lr  }
0x1b: {  	s9 =	sadd.s32 $0xFFFFFEF7, lr;
	s5 =	simm.s32 $0xFFFFFFFF;
	p2 =	slt.u32 s8, $0xFFFFF086  }
0x1c: {  	p1 =	slt.u32 s9, $0xF7A;
	s5 =	simm.s32 @!p2 $0x0  }
0x1d: {  	s5 =	simm.s32 @p1 $0x1;
	p0 =	seq.s32 s7, s2  }
0x1e: {  	s7 =	smul.u32 @!p0 $0xF7A, s2;
	p2 =	seq.s32 @!p0 s5, $0x0  }
0x1f: {  	s9 =	smul.u32 $0xF7A, s1;
	s8 =	simm.s32 @!p0 $0x1BF5;
	p2 =	por !p2, p0  }
0x20: {  	[sflag:s8] =	ssyncset.s32 @!p0 $0xFFFFF086;
	s6 =	sadd.s32 @!p0 s3, s7;
	s7 =	simm.s32 @!p0 $0x108  }
0x21: {  	s3 =	sadd.s32 s3, s9;
	s6 =	sadd.s32 @!p0 $0x88, s6;
	s7 =	simm.s32 @p2 $0x1082  }
0x22: {  	[simem:s7], [sflag:s8] =	dma.local @!p0 [hbm:s6], $0xF7A  }
0x23: {  	s9 =	sor.u32 $0xD0000000, s2;
	s6 =	simm.s32 $0x108;
	_ =	swait.ge @!p0 [sflag:s8], $0x0  }
0x24: {  	s3 =	sadd.s32 $0x88, s3;
	s6 =	simm.s32 @!p1 $0x1082;
	[sflag:s4] =	ssyncset.s32 $0xFFFFF086  }
0x25: {  	[simem:s6], [sflag:s4] =	dma.local [hbm:s3], $0xF7A  }
0x26: {  	[smem:$0x3F94] =	sst s1;
	(tag) =	ssettag s2;
	_ =	strace s9  }
0x27: {  	s1 =	sld [smem:$0x3FA4]  }
0x28: {  	s2 =	sld [smem:$0x3FA5]  }
0x29: {  	s4 =	sld [smem:$0x3FA7]  }
0x2a: {  	p0 =	seq.s32 s5, $0x0;
	s5 =	sld [smem:$0x3FA8]  }
0x2b: {  	s6 =	sld [smem:$0x3FA9]  }
0x2c: {  	s7 =	sld [smem:$0x3FAA]  }
0x2d: {  	s3 =	simm.s32 $0x108;
	s8 =	sld [smem:$0x3FAB]  }
0x2e: {  	s3 =	simm.s32 @!p0 $0x1082;
	s9 =	sld [smem:$0x3FAC]  }
0x2f: {  	lr =	sadd.s32 s0, s3;
	s0 =	sld [smem:$0x3FA3]  }
0x30: {  	s3 =	sld [smem:$0x3FA6]  }
0x31: {  	[smem:$0x3FAF] =	sst s10  }
0x32: {  	s10 =	sld [smem:$0x3FAD];
	_ =	sdelay $0x3  }
0x33: {  	p0 =	seq.s32 s10, $0x1;
	s10 =	sld [smem:$0x3FAF];
	_ =	sdelay $0x3  }
0x34: {  	[smem:$0x3FAF] =	sst s10  }
0x35: {  	s10 =	sld [smem:$0x3FAE];
	_ =	sdelay $0x3  }
0x36: {  	p1 =	seq.s32 s10, $0x1;
	s10 =	sld [smem:$0x3FAF];
	_ =	sdelay $0x3  }
0x37: {  	[smem:$0x3FAF] =	sst s10  }
0x38: {  	s10 =	sld [smem:$0x3FB0]  }
0x39: {  	_ = 	snop;
	(pc) =	sbr.ind lr, $3  }
0x3a: {  	_ = 	snop  }
0x3b: {  	_ = 	snop  }
0x3c: {  	p2 =	seq.s32 s10, $0x1;
	s10 =	sld [smem:$0x3FAF]  }
0x3d: {  	_ =	shalt  }
0x3e: {  	_ =	shalt  }
0x3f: {  	_ =	shalt  }
0x40: {  	_ =	shalt  }
0x41: {  	_ =	shalt  }
0x42: {  	_ =	shalt  }
0x43: {  	_ =	shalt  }
0x44: {  	_ =	shalt  }
0x45: {  	_ =	shalt  }
0x46: {  	_ =	shalt  }
0x47: {  	_ =	shalt  }
0x48: {  	_ =	shalt  }
0x49: {  	_ =	shalt  }
0x4a: {  	_ =	shalt  }
0x4b: {  	_ =	shalt  }
0x4c: {  	_ =	shalt  }
0x4d: {  	_ =	shalt  }
0x4e: {  	_ =	shalt  }
0x4f: {  	_ =	shalt  }
0x50: {  	_ =	shalt  }
0x51: {  	_ =	shalt  }
0x52: {  	_ =	shalt  }
0x53: {  	_ =	shalt  }
0x54: {  	_ =	shalt  }
0x55: {  	_ =	shalt  }
0x56: {  	_ =	shalt  }
0x57: {  	_ =	shalt  }
0x58: {  	_ =	shalt  }
0x59: {  	_ =	shalt  }
0x5a: {  	_ =	shalt  }
0x5b: {  	_ =	shalt  }
0x5c: {  	_ =	shalt  }
0x5d: {  	_ =	shalt  }
0x5e: {  	_ =	shalt  }
0x5f: {  	_ =	shalt  }
0x60: {  	_ =	shalt  }
0x61: {  	_ =	shalt  }
0x62: {  	_ =	shalt  }
0x63: {  	_ =	shalt  }
0x64: {  	_ =	shalt  }
0x65: {  	_ =	shalt  }
0x66: {  	_ =	shalt  }
0x67: {  	_ =	shalt  }
0x68: {  	_ =	shalt  }
0x69: {  	_ =	shalt  }
0x6a: {  	_ =	shalt  }
0x6b: {  	_ =	shalt  }
0x6c: {  	_ =	shalt  }
0x6d: {  	_ =	shalt  }
0x6e: {  	_ =	shalt  }
0x6f: {  	_ =	shalt  }
0x70: {  	_ =	shalt  }
0x71: {  	_ =	shalt  }
0x72: {  	_ =	shalt  }
0x73: {  	_ =	shalt  }
0x74: {  	_ =	shalt  }
0x75: {  	_ =	shalt  }
0x76: {  	_ =	shalt  }
0x77: {  	_ =	shalt  }
0x78: {  	_ =	shalt  }
0x79: {  	_ =	shalt  }
0x7a: {  	_ =	shalt  }
0x7b: {  	_ =	shalt  }
0x7c: {  	_ =	shalt  }
0x7d: {  	_ =	shalt  }
0x7e: {  	_ =	shalt  }
0x7f: {  	_ =	shalt  }
0x80: {  	_ =	shalt  }
0x81: {  	_ =	shalt  }
0x82: {  	_ =	shalt  }
0x83: {  	_ =	shalt  }
0x84: {  	_ =	shalt  }
0x85: {  	_ =	shalt  }
0x86: {  	_ =	shalt  }
0x87: {  	_ =	shalt  }
.Lfunc_end0:
.L_simem_size_0:
called_computation_lowered:
.L_overlay_start_0:
0x88: {  	s2 =	sld [smem:$0x3FD9]  }
0x89: {  	s3 =	sld [smem:$0x3FFE];
	_ =	sdelay $0x1  }
0x8a: {  	s1 =	srdreg.scid  }
0x8b: {  	s0 =	sand.u32 $0x1, s1  }
0x8c: {  	s17 =	sshll.u32 s0, $0xA;
	s2 =	sadd.s32 s3, s2  }
0x8d: {  	s2 =	sadd.s32 s2, s17  }
0x8e: {  	[smem:$0x3FBB] =	sst s2  }
0x8f: {  	_ = 	snop  }
0x90: {  	s2 =	sld [smem:$0x3FC9]  }
0x91: {  	s18 =	sld [smem:$0x3FC8]  }
0x92: {  	s4 =	sld [smem:$0x3FC7]  }
0x93: {  	s5 =	sld [smem:$0x3FC3]  }
0x94: {  	s6 =	sld [smem:$0x3FD0];
	(tm) =	ssettm $0x1  }
0x95: {  	s7 =	sld [smem:$0x3FFB];
	_ =	sdelay $0x3  }
0x96: {  	_ =	strace s7  }
0x97: {  	s7 =	sld [smem:$0x3FFC];
	_ =	sdelay $0x3  }
0x98: {  	_ =	strace s7  }
0x99: {  	s7 =	sld [smem:$0x3FFD];
	_ =	sdelay $0x3  }
0x9a: {  	_ =	strace s7  }
0x9b: {  	_ =	strace $0x8FFFFFFF  }
0x9c: {  	s19 =	sld [smem:$0x3FDB];
	_ =	sdelay $0x1  }
0x9d: {  	s8 =	simm.s32 $_scs_section_size  }
0x9e: {  	s9 =	simm.s32 $_size__tile_overlayer_lowered;
	s10 =	simm.s32 $_tile_overlayer_lowered  }
0x9f: {  	s22 =	simm.s32 $0x1BFF;
	s21 =	sshll.u32 s10, $0x1;
	s7 =	sadd.s32 s8, s19  }
0xa0: {  	s11 =	simm.s32 $0x0;
	s20 =	sshll.u32 s9, $0x1;
	s9 =	sadd.s32 s21, s7  }
0xa1: {  	[timem:s11], [sflag:s22] =	dma.local [hbm:s9], s20  }
0xa2: {  	_ =	swait.ge [sflag:s22], s20  }
0xa3: {  	s8 =	ssub.s32 $0x0, s20;
	[sflag:s22] =	ssyncset.done $0x0  }
0xa4: {  	[sflag:s22] =	ssyncadd.s32 s8;
	_ =	sdelay $0x1  }
0xa5: {  	s23 =	simm.s32 $0x1B8B  }
0xa6: {  	_ =	swait.ge [sflag:s23], $0x1  }
0xa7: {  	[sflag:s23] =	ssyncset.done $0x0  }
0xa8: {  	s25 =	simm.s32 $0x1B8E;
	s24 =	sld [smem:$0x3FFE];
	[sflag:s23] =	ssyncadd.s32 $0xFFFFFFFF  }
0xa9: {  	s26 =	simm.s32 $execute0_lowered;
	[smem:$0x3FD2] =	sst s25  }
0xaa: {  	s9 =	sshll.u32 s26, $0x1;
	_ =	strace $0x80000046;
	[dreg:$0x1] =	wrdreg $0xFFFFFFFF  }
0xab: {  	s28 =	simm.s32 $_size_execute0_lowered;
	s7 =	sadd.s32 s7, s9;
	[dreg:$0x0] =	wrdreg $0x0  }
0xac: {  	s9 =	sshll.u32 s28, $0x1;
	[dreg:$0x2] =	wrdreg s7  }
0xad: {  	[dreg:$0x3] =	wrdreg s9  }
0xae: {  	[dreg:$0x4] =	wrdreg $0xC0  }
0xaf: {  	_ =	task [dreg:s11], $0x5FFFF  }
0xb0: {  	[dreg:$0x1] =	wrdreg $0xFFFFFFFF  }
0xb1: {  	[dreg:$0x0] =	wrdreg $0x60  }
0xb2: {  	[dreg:$0x2] =	wrdreg s2  }
0xb3: {  	[dreg:$0x3] =	wrdreg s18  }
0xb4: {  	[dreg:$0x4] =	wrdreg s4  }
0xb5: {  	[dreg:$0x5] =	wrdreg s24  }
0xb6: {  	[dreg:$0x6] =	wrdreg s5  }
0xb7: {  	[dreg:$0x7] =	wrdreg s6  }
0xb8: {  	[dreg:$0x8] =	wrdreg $0x9  }
0xb9: {  	_ =	task.clear_ibuf [dreg:s11], $0x9FFFF;
	_ =	strace $0x90000046  }
0xba: {  	s29 =	simm.s32 $0x9;
	_ =	strace $0x80000048  }
0xbb: {  	_ =	swait.ge [sflag:s29], $0x1  }
0xbc: {  	[sflag:s29] =	ssyncadd.s32 $0xFFFFFFFF  }
0xbd: {  	_ =	strace $0x90000048  }
0xbe: {  	_ =	sfence  }
0xbf: {  	s30 =	sld [smem:$0x0];
	_ =	sdelay $0x2  }
0xc0: {  	s31 =	sshll.u32 s1, $0xD;
	s1 =	sshrl.u32 s1, $0x2  }
0xc1: {  	s3 =	sand.u32 $0x4000, s31;
	s1 =	sadd.s32 s1, s30  }
0xc2: {  	s0 =	sor.u32 s3, s0;
	s1 =	sshll.u32 s1, $0x11  }
0xc3: {  	s0 =	sor.u32 s1, s0  }
0xc4: {  	s0 =	sadd.s32 $0x8F2B, s0  }
0xc5: {  	[sflag:s0] =	ssyncadd.remote.s32 $0x1  }
0xc6: {  	_ =	sfence.sel $0xFFFF  }
0xc7: {  	[dreg:$0x0] =	wrdreg $0xFFFFFFFF;
	(pc) =	sbr.abs _section_cstart, $3  }
0xc8: {  	[dreg:$0x1] =	wrdreg $0xFFFFFFFF  }
0xc9: {  	_ =	task.clear_ibuf [dreg:s11], $0x2FFFF;
	_ =	strace $0x9FFFFFFF  }
0xca: {  	(tm) =	ssettm $0x7FFFFFFF  }
0xcb: {  	_ =	shalt  }
tec
execute0_lowered:
.L_overlay_start_1:
0x0: {  	(tag) =	ssettag $0x1  }
0x1: {  	s0 =	rddreg [dreg:$0x0]  }
0x2: {  	s2 =	rddreg [dreg:$0x1]  }
0x3: {  	s7 =	rddreg [dreg:$0x2]  }
0x4: {  	s5 =	rddreg [dreg:$0x3]  }
0x5: {  	s1 =	rddreg [dreg:$0x4]  }
0x6: {  	s12 =	rddreg [dreg:$0x5];
	s4 =	srdreg.scid;
	s3 =	simm.s32 $0x0  }
0x7: {  	s8 =	stileid.u32;
	s15 =	simm.s32 $0x200;
	s16 =	simm.s32 $0x400  }
0x8: {  	s17 =	simm.s32 $0x80;
	s19 =	simm.s32 $0x18800;
	s28 =	simm.s32 $0x4800  }
0x9: {  	s29 =	simm.s32 $0x8800;
	s30 =	simm.s32 $0x1;
	s31 =	simm.s32 $0xC800  }
0xa: {  	s20 =	simm.s32 $0x14800;
	s18 =	simm.s32 $0x2;
	s21 =	simm.s32 $0x0  }
0xb: {  	s6 =	sand.u32 $0x1, s4;
	[smem:$0x7FF] =	sst s3;
	s24 =	sshll.u32 s8, $0xA  }
0xc: {  	s4 =	sadd.s32 $0x1C00, s5;
	s25 =	sshll.u32 s6, $0x9;
	s6 =	ssub.s32 $0x2, s6  }
0xd: {  	_ =	strace $0x80000047;
	s8 =	sor.u32 s25, s24;
	s26 =	sshrl.u32 s6, $0x1  }
0xe: {  	s25 =	simm.s32 $0x580;
	s9 =	sshll.u32 s8, $0x4;
	s13 =	sshrl.u32 s8, $0x3  }
0xf: {  	s14 =	ssub.s32 s6, s26;
	s26 =	simm.s32 $0x800;
	s11 =	sadd.s32 s9, s5  }
0x10: {  	s5 =	sadd.s32 s0, s13;
	s6 =	sadd.s32 s2, s13;
	s7 =	sadd.s32 s7, s13  }
0x11: {  	s12 =	sadd.s32 s12, s13;
	s2 =	simm.s32 $0x10800;
	s0 =	simm.s32 $0x380  }
0x12: {  	s13 =	smax.u32 s14, $0x1;
	s8 =	sadd.s32 $0x188600, s11;
	s9 =	sadd.s32 $0x188E00, s11  }
0x13: {  	vm0 =	vmmov $0xff;
	s14 =	simm.s32 $0x3;
	s10 =	sadd.s32 $0x189600, s11;
	s11 =	sadd.s32 $0x189E00, s11  }
.LBB2_1:
0x14: {  	[tilespmem:s3], [sflag:$0x3] =	stream.linear.gather [hbm4b:s5+s3], $0x200, $0x38;
	[tilespmem:$0x18A00] =	vst v63  }
0x15: {  	_ =	swait.ge [sflag:s14], $0x200  }
0x16: {  	[sflag:s14] =	ssyncset.done $0x0  }
0x17: {  	[sflag:s14] =	ssyncadd.s32 $0xFFFFFE00  }
0x18: {  	[tilespmem:s15], [sflag:$0x3] =	stream.linear.gather [hbm4b:s6+s3], $0x200, $0x38;
	[tilespmem:$0x18A00] =	vst v63  }
0x19: {  	_ =	swait.ge [sflag:s14], $0x200  }
0x1a: {  	[sflag:s14] =	ssyncset.done $0x0  }
0x1b: {  	[sflag:s14] =	ssyncadd.s32 $0xFFFFFE00  }
0x1c: {  	[tilespmem:s16], [sflag:$0x3] =	stream.linear.gather [hbm4b:s7+s3], $0x200, $0x38;
	[tilespmem:$0x18A00] =	vst v63  }
0x1d: {  	_ =	swait.ge [sflag:s14], $0x200  }
0x1e: {  	[sflag:s14] =	ssyncset.done $0x0  }
0x1f: {  	[sflag:s14] =	ssyncadd.s32 $0xFFFFFE00  }
0x20: {  	v0 =	vld [tilespmem:$0x0]  }
0x21: {  	v1 =	vld [tilespmem:$0x200]  }
0x22: {  	v2 =	vld [tilespmem:$0x10]  }
0x23: {  	v3 =	vld [tilespmem:$0x210]  }
0x24: {  	v4 =	vld [tilespmem:$0x20]  }
0x25: {  	v5 =	vld [tilespmem:$0x220]  }
0x26: {  	v6 =	vld [tilespmem:$0x30]  }
0x27: {  	v7 =	vld [tilespmem:$0x230]  }
0x28: {  	v8 =	vld [tilespmem:$0x40]  }
0x29: {  	v9 =	vld [tilespmem:$0x240]  }
0x2a: {  	v10 =	vld [tilespmem:$0x50]  }
0x2b: {  	v11 =	vld [tilespmem:$0x250]  }
0x2c: {  	v12 =	vld [tilespmem:$0x60]  }
0x2d: {  	v13 =	vld [tilespmem:$0x260]  }
0x2e: {  	v14 =	vld [tilespmem:$0x70]  }
0x2f: {  	v15 =	vld [tilespmem:$0x270]  }
0x30: {  	v16 =	vld [tilespmem:$0x80]  }
0x31: {  	v17 =	vld [tilespmem:$0x280]  }
0x32: {  	v18 =	vld [tilespmem:$0x90]  }
0x33: {  	v19 =	vld [tilespmem:$0x290]  }
0x34: {  	v20 =	vld [tilespmem:$0xA0]  }
0x35: {  	v21 =	vld [tilespmem:$0x2A0]  }
0x36: {  	v22 =	vld [tilespmem:$0xB0]  }
0x37: {  	v23 =	vld [tilespmem:$0x2B0]  }
0x38: {  	v24 =	vld [tilespmem:$0xC0]  }
0x39: {  	v25 =	vld [tilespmem:$0x2C0]  }
0x3a: {  	v26 =	vld [tilespmem:$0xD0]  }
0x3b: {  	v27 =	vld [tilespmem:$0x2D0]  }
0x3c: {  	v28 =	vld [tilespmem:$0xE0]  }
0x3d: {  	v29 =	vld [tilespmem:$0x2E0]  }
0x3e: {  	v30 =	vld [tilespmem:$0xF0]  }
0x3f: {  	v31 =	vld [tilespmem:$0x2F0]  }
0x40: {  	v32 =	vld [tilespmem:$0x100]  }
0x41: {  	v33 =	vld [tilespmem:$0x300]  }
0x42: {  	v34 =	vld [tilespmem:$0x110]  }
0x43: {  	v35 =	vld [tilespmem:$0x310];
	v0 =	vmul.u32 $0x120, v0  }
0x44: {  	v36 =	vld [tilespmem:$0x120];
	v2 =	vmul.u32 $0x120, v2  }
0x45: {  	v40 =	vld [tilespmem:$0x320];
	v0 =	vadd.s32 v1, v0;
	v1 =	vmul.u32 $0x120, v4  }
0x46: {  	v41 =	vld [tilespmem:$0x330];
	[tilespmem:$0x600] =	vst v0;
	v0 =	vadd.s32 v3, v2;
	v2 =	vmul.u32 $0x120, v6  }
0x47: {  	v42 =	vld [tilespmem:$0x140];
	[tilespmem:$0x610] =	vst v0;
	v0 =	vadd.s32 v5, v1;
	v1 =	vmul.u32 $0x120, v8  }
0x48: {  	v43 =	vld [tilespmem:$0x340];
	[tilespmem:$0x620] =	vst v0;
	v0 =	vadd.s32 v7, v2;
	v2 =	vmul.u32 $0x120, v10  }
0x49: {  	v44 =	vld [tilespmem:$0x150];
	[tilespmem:$0x630] =	vst v0;
	v0 =	vadd.s32 v9, v1;
	v1 =	vmul.u32 $0x120, v12  }
0x4a: {  	v45 =	vld [tilespmem:$0x350];
	[tilespmem:$0x640] =	vst v0;
	v0 =	vadd.s32 v11, v2;
	v2 =	vmul.u32 $0x120, v14  }
0x4b: {  	v46 =	vld [tilespmem:$0x160];
	[tilespmem:$0x650] =	vst v0;
	v0 =	vadd.s32 v13, v1;
	v1 =	vmul.u32 $0x120, v16  }
0x4c: {  	v47 =	vld [tilespmem:$0x360];
	[tilespmem:$0x660] =	vst v0;
	v0 =	vadd.s32 v15, v2;
	v2 =	vmul.u32 $0x120, v18  }
0x4d: {  	v48 =	vld [tilespmem:$0x170];
	[tilespmem:$0x670] =	vst v0;
	v0 =	vadd.s32 v17, v1;
	v1 =	vmul.u32 $0x120, v20  }
0x4e: {  	v49 =	vld [tilespmem:$0x370];
	[tilespmem:$0x680] =	vst v0;
	v0 =	vadd.s32 v19, v2;
	v2 =	vmul.u32 $0x120, v22  }
0x4f: {  	v50 =	vld [tilespmem:$0x180];
	[tilespmem:$0x690] =	vst v0;
	v0 =	vadd.s32 v21, v1;
	v1 =	vmul.u32 $0x120, v24  }
0x50: {  	v51 =	vld [tilespmem:$0x380];
	[tilespmem:$0x6A0] =	vst v0;
	v0 =	vadd.s32 v23, v2;
	v2 =	vmul.u32 $0x120, v26  }
0x51: {  	v3 =	vld [tilespmem:$0x130];
	[tilespmem:$0x6B0] =	vst v0;
	v0 =	vadd.s32 v25, v1;
	v1 =	vmul.u32 $0x120, v28  }
0x52: {  	v52 =	vld [tilespmem:$0x190];
	[tilespmem:$0x6C0] =	vst v0;
	v0 =	vadd.s32 v27, v2;
	v2 =	vmul.u32 $0x120, v30  }
0x53: {  	v53 =	vld [tilespmem:$0x390];
	[tilespmem:$0x6D0] =	vst v0;
	v0 =	vadd.s32 v29, v1;
	v1 =	vmul.u32 $0x120, v32  }
0x54: {  	v54 =	vld [tilespmem:$0x1A0];
	[tilespmem:$0x6E0] =	vst v0;
	v0 =	vadd.s32 v31, v2;
	v2 =	vmul.u32 $0x120, v34  }
0x55: {  	v55 =	vld [tilespmem:$0x3A0];
	[tilespmem:$0x6F0] =	vst v0;
	v0 =	vadd.s32 v33, v1;
	v1 =	vmul.u32 $0x120, v36  }
0x56: {  	v56 =	vld [tilespmem:$0x3B0];
	[tilespmem:$0x700] =	vst v0;
	v0 =	vadd.s32 v35, v2;
	v2 =	vmul.u32 $0x120, v3  }
0x57: {  	v57 =	vld [tilespmem:$0x1C0];
	[tilespmem:$0x710] =	vst v0;
	v0 =	vadd.s32 v40, v1;
	v1 =	vmul.u32 $0x120, v42  }
0x58: {  	v58 =	vld [tilespmem:$0x3C0];
	[tilespmem:$0x720] =	vst v0;
	v0 =	vadd.s32 v41, v2;
	v2 =	vmul.u32 $0x120, v44  }
0x59: {  	v3 =	vld [tilespmem:$0x1B0];
	[tilespmem:$0x730] =	vst v0;
	v0 =	vadd.s32 v43, v1;
	v1 =	vmul.u32 $0x120, v46  }
0x5a: {  	v59 =	vld [tilespmem:$0x1D0];
	[tilespmem:$0x740] =	vst v0;
	v0 =	vadd.s32 v45, v2;
	v2 =	vmul.u32 $0x120, v48  }
0x5b: {  	v60 =	vld [tilespmem:$0x3D0];
	[tilespmem:$0x750] =	vst v0;
	v0 =	vadd.s32 v47, v1;
	v1 =	vmul.u32 $0x120, v50  }
0x5c: {  	v61 =	vld [tilespmem:$0x1E0];
	[tilespmem:$0x760] =	vst v0;
	v0 =	vadd.s32 v49, v2;
	v2 =	vmul.u32 $0x120, v52  }
0x5d: {  	v62 =	vld [tilespmem:$0x1F0];
	[tilespmem:$0x770] =	vst v0;
	v0 =	vadd.s32 v51, v1;
	v1 =	vmul.u32 $0x120, v54  }
0x5e: {  	[tilespmem:$0x780] =	vst v0;
	v0 =	vadd.s32 v53, v2;
	v2 =	vmul.u32 $0x120, v3;
	v3 =	vld [tilespmem:$0x3E0]  }
0x5f: {  	v63 =	vld [tilespmem:$0x3F0];
	[tilespmem:$0x790] =	vst v0;
	v0 =	vadd.s32 v55, v1;
	v1 =	vmul.u32 $0x120, v57  }
0x60: {  	[tilespmem:$0x7A0] =	vst v0;
	v0 =	vadd.s32 v56, v2;
	v2 =	vmul.u32 $0x120, v59  }
0x61: {  	[tilespmem:$0x7B0] =	vst v0;
	v0 =	vadd.s32 v58, v1;
	v1 =	vmul.u32 $0x120, v61  }
0x62: {  	[tilespmem:$0x7C0] =	vst v0;
	v0 =	vadd.s32 v60, v2;
	v2 =	vmul.u32 $0x120, v62  }
0x63: {  	[tilespmem:$0x7D0] =	vst v0;
	v0 =	vadd.s32 v3, v1  }
0x64: {  	[tilespmem:$0x7E0] =	vst v0;
	v0 =	vadd.s32 v63, v2  }
0x65: {  	s22 =	simm.s32 $0x600;
	[tilespmem:$0x7F0] =	vst v0  }
0x66: {  	[tilespmem:s19], [sflag:$0x2] =	stream.indirect.gather [hbm4b:s1+s17], $0x1, s22, s17, $0xb8;
	[tilespmem:$0x18A00] =	vst v63  }
0x67: {  	s24 =	simm.s32 $0x680;
	s23 =	simm.s32 $0x18880  }
0x68: {  	[tilespmem:s23], [sflag:$0x2] =	stream.indirect.gather [hbm4b:s1+s17], $0x1, s24, s17, $0xb8;
	[tilespmem:$0x18A00] =	vst v63  }
0x69: {  	s23 =	simm.s32 $0x700;
	s24 =	simm.s32 $0x18900  }
0x6a: {  	[tilespmem:s24], [sflag:$0x2] =	stream.indirect.gather [hbm4b:s1+s17], $0x1, s23, s17, $0xb8;
	[tilespmem:$0x18A00] =	vst v63  }
0x6b: {  	s23 =	simm.s32 $0x780;
	s24 =	simm.s32 $0x18980  }
0x6c: {  	[tilespmem:s24], [sflag:$0x2] =	stream.indirect.gather [hbm4b:s1+s17], $0x1, s23, s17, $0xb8;
	[tilespmem:$0x18A00] =	vst v63  }
0x6d: {  	_ = 	snop  }
0x6e: {  	[tilespmem:s26], [sflag:$0x1] =	stream.indirect.gather [hbm4b:s4+s17], $0x80, s3, s17, $0xb8;
	[tilespmem:$0x18A00] =	vst v63  }
0x6f: {  	_ = 	snop  }
0x70: {  	[tilespmem:s28], [sflag:$0x1] =	stream.indirect.gather [hbm4b:s4+s17], $0x80, s16, s17, $0xb8;
	[tilespmem:$0x18A00] =	vst v63  }
0x71: {  	_ = 	snop  }
0x72: {  	[tilespmem:s29], [sflag:$0x1] =	stream.indirect.gather [hbm4b:s4+s17], $0x80, s15, s17, $0xb8;
	[tilespmem:$0x18A00] =	vst v63  }
0x73: {  	_ =	swait.ge [sflag:s30], $0x4000  }
0x74: {  	[sflag:s30] =	ssyncset.done $0x0  }
0x75: {  	[sflag:s30] =	ssyncadd.s32 $0xFFFFC000  }
0x76: {  	_ =	swait.ge [sflag:s30], $0x4000  }
0x77: {  	[sflag:s30] =	ssyncset.done $0x0  }
0x78: {  	[sflag:s30] =	ssyncadd.s32 $0xFFFFC000  }
0x79: {  	_ =	swait.ge [sflag:s30], $0x4000  }
0x7a: {  	[sflag:s30] =	ssyncset.done $0x0  }
0x7b: {  	[sflag:s30] =	ssyncadd.s32 $0xFFFFC000  }
0x7c: {  	[tilespmem:s31], [sflag:$0x1] =	stream.indirect.gather [hbm4b:s4+s17], $0x80, s17, s17, $0xb8;
	[tilespmem:$0x18A00] =	vst v63  }
0x7d: {  	s23 =	simm.s32 $0x480  }
0x7e: {  	[tilespmem:s2], [sflag:$0x1] =	stream.indirect.gather [hbm4b:s4+s17], $0x80, s23, s17, $0xb8;
	[tilespmem:$0x18A00] =	vst v63  }
0x7f: {  	s22 =	simm.s32 $0x0;
	s24 =	simm.s32 $0x280  }
0x80: {  	[tilespmem:s20], [sflag:$0x1] =	stream.indirect.gather [hbm4b:s4+s17], $0x80, s24, s17, $0xb8;
	[tilespmem:$0x18A00] =	vst v63  }
0x81: {  	v0 =	vld [tilespmem:s22+$0x8820]  }
0x82: {  	v2 =	vld [tilespmem:s22+$0x4820];
	_ =	sdelay $0x1  }
0x83: {  	s23 =	simm.s32 $0x200;
	v1 =	vld [tilespmem:s22+$0x4830]  }
.LBB2_2:
0x84: {  	p0 =	sne.s32 s23, $0xFE00  }
.Ltmp0:
0x85: {  	s24 =	sshra.s32 s23, $0x2;
	(pc) =	sbr.rel @p0 .LBB2_2-.Ltmp0, $4  }
0x86: {  	v3 =	vsel vm0, v0, v2;
	v0 =	vld [tilespmem:s24+$0x8820]  }
0x87: {  	v2 =	vld [tilespmem:s24+$0x4820];
	[tilespmem:s22+$0x820] =	vst v3  }
0x88: {  	[tilespmem:s22+$0x830] =	vst v1  }
0x89: {  	s23 =	sadd.s32 $0x200, s23;
	s22 =	smov.u32 s24;
	v1 =	vld [tilespmem:s24+$0x4830]  }
0x8a: {  	_ =	sdelay $0x1  }
0x8b: {  	v0 =	vsel vm0, v0, v2  }
0x8c: {  	[tilespmem:s22+$0x820] =	vst v0  }
0x8d: {  	s23 =	simm.s32 $0x0;
	[tilespmem:s22+$0x830] =	vst v1  }
0x8e: {  	[hbm4b:s8+s23] =	stream.linear.scatter [tilespmem:s26], [sflag:$0x3], $0x4000, $0x38;
	[tilespmem:$0x18A00] =	vst v63  }
0x8f: {  	_ =	swait.ge [sflag:s14], $0x4000  }
0x90: {  	[sflag:s14] =	ssyncset.done $0x0  }
0x91: {  	[sflag:s14] =	ssyncadd.s32 $0xFFFFC000  }
0x92: {  	_ =	swait.ge [sflag:s30], $0x4000  }
0x93: {  	[sflag:s30] =	ssyncset.done $0x0  }
0x94: {  	[sflag:s30] =	ssyncadd.s32 $0xFFFFC000  }
0x95: {  	_ =	swait.ge [sflag:s30], $0x4000  }
0x96: {  	[sflag:s30] =	ssyncset.done $0x0  }
0x97: {  	[sflag:s30] =	ssyncadd.s32 $0xFFFFC000  }
0x98: {  	_ =	swait.ge [sflag:s30], $0x4000  }
0x99: {  	[sflag:s30] =	ssyncset.done $0x0  }
0x9a: {  	s24 =	simm.s32 $0x100;
	[sflag:s30] =	ssyncadd.s32 $0xFFFFC000  }
0x9b: {  	[tilespmem:s26], [sflag:$0x1] =	stream.indirect.gather [hbm4b:s4+s17], $0x80, s24, s17, $0xb8;
	[tilespmem:$0x18A00] =	vst v63  }
0x9c: {  	s23 =	simm.s32 $0x500  }
0x9d: {  	[tilespmem:s28], [sflag:$0x1] =	stream.indirect.gather [hbm4b:s4+s17], $0x80, s23, s17, $0xb8;
	[tilespmem:$0x18A00] =	vst v63  }
0x9e: {  	s22 =	simm.s32 $0x0;
	s24 =	simm.s32 $0x300  }
0x9f: {  	[tilespmem:s29], [sflag:$0x1] =	stream.indirect.gather [hbm4b:s4+s17], $0x80, s24, s17, $0xb8;
	[tilespmem:$0x18A00] =	vst v63  }
0xa0: {  	v0 =	vld [tilespmem:s22+$0x14820]  }
0xa1: {  	v2 =	vld [tilespmem:s22+$0x10820];
	_ =	sdelay $0x1  }
0xa2: {  	s23 =	simm.s32 $0x200;
	v1 =	vld [tilespmem:s22+$0x10830]  }
.LBB2_4:
0xa3: {  	p0 =	sne.s32 s23, $0xFE00  }
.Ltmp1:
0xa4: {  	s24 =	sshra.s32 s23, $0x2;
	(pc) =	sbr.rel @p0 .LBB2_4-.Ltmp1, $4  }
0xa5: {  	v3 =	vsel vm0, v0, v2;
	v0 =	vld [tilespmem:s24+$0x14820]  }
0xa6: {  	v2 =	vld [tilespmem:s24+$0x10820];
	[tilespmem:s22+$0xC820] =	vst v3  }
0xa7: {  	[tilespmem:s22+$0xC830] =	vst v1  }
0xa8: {  	s23 =	sadd.s32 $0x200, s23;
	s22 =	smov.u32 s24;
	v1 =	vld [tilespmem:s24+$0x10830]  }
0xa9: {  	_ =	sdelay $0x1  }
0xaa: {  	v0 =	vsel vm0, v0, v2  }
0xab: {  	[tilespmem:s22+$0xC820] =	vst v0  }
0xac: {  	s23 =	simm.s32 $0x0;
	[tilespmem:s22+$0xC830] =	vst v1  }
0xad: {  	[hbm4b:s9+s23] =	stream.linear.scatter [tilespmem:s31], [sflag:$0x3], $0x4000, $0x38;
	[tilespmem:$0x18A00] =	vst v63  }
0xae: {  	_ =	swait.ge [sflag:s14], $0x4000  }
0xaf: {  	[sflag:s14] =	ssyncset.done $0x0  }
0xb0: {  	[sflag:s14] =	ssyncadd.s32 $0xFFFFC000  }
0xb1: {  	_ =	swait.ge [sflag:s30], $0x4000  }
0xb2: {  	[sflag:s30] =	ssyncset.done $0x0  }
0xb3: {  	[sflag:s30] =	ssyncadd.s32 $0xFFFFC000  }
0xb4: {  	_ =	swait.ge [sflag:s30], $0x4000  }
0xb5: {  	[sflag:s30] =	ssyncset.done $0x0  }
0xb6: {  	[sflag:s30] =	ssyncadd.s32 $0xFFFFC000  }
0xb7: {  	_ =	swait.ge [sflag:s30], $0x4000  }
0xb8: {  	[sflag:s30] =	ssyncset.done $0x0  }
0xb9: {  	s24 =	simm.s32 $0x180;
	[sflag:s30] =	ssyncadd.s32 $0xFFFFC000  }
0xba: {  	[tilespmem:s31], [sflag:$0x1] =	stream.indirect.gather [hbm4b:s4+s17], $0x80, s24, s17, $0xb8;
	[tilespmem:$0x18A00] =	vst v63  }
0xbb: {  	_ = 	snop  }
0xbc: {  	[tilespmem:s2], [sflag:$0x1] =	stream.indirect.gather [hbm4b:s4+s17], $0x80, s25, s17, $0xb8;
	[tilespmem:$0x18A00] =	vst v63  }
0xbd: {  	s22 =	simm.s32 $0x0  }
0xbe: {  	[tilespmem:s20], [sflag:$0x1] =	stream.indirect.gather [hbm4b:s4+s17], $0x80, s0, s17, $0xb8;
	[tilespmem:$0x18A00] =	vst v63  }
0xbf: {  	v0 =	vld [tilespmem:s22+$0x8820]  }
0xc0: {  	v2 =	vld [tilespmem:s22+$0x4820];
	_ =	sdelay $0x1  }
0xc1: {  	s23 =	simm.s32 $0x200;
	v1 =	vld [tilespmem:s22+$0x4830]  }
.LBB2_6:
0xc2: {  	p0 =	sne.s32 s23, $0xFE00  }
.Ltmp2:
0xc3: {  	s24 =	sshra.s32 s23, $0x2;
	(pc) =	sbr.rel @p0 .LBB2_6-.Ltmp2, $4  }
0xc4: {  	v3 =	vsel vm0, v0, v2;
	v0 =	vld [tilespmem:s24+$0x8820]  }
0xc5: {  	v2 =	vld [tilespmem:s24+$0x4820];
	[tilespmem:s22+$0x820] =	vst v3  }
0xc6: {  	[tilespmem:s22+$0x830] =	vst v1  }
0xc7: {  	s23 =	sadd.s32 $0x200, s23;
	s22 =	smov.u32 s24;
	v1 =	vld [tilespmem:s24+$0x4830]  }
0xc8: {  	_ =	sdelay $0x1  }
0xc9: {  	v0 =	vsel vm0, v0, v2  }
0xca: {  	[tilespmem:s22+$0x820] =	vst v0  }
0xcb: {  	s24 =	simm.s32 $0x0;
	[tilespmem:s22+$0x830] =	vst v1  }
0xcc: {  	[hbm4b:s10+s24] =	stream.linear.scatter [tilespmem:s26], [sflag:$0x3], $0x4000, $0x38;
	[tilespmem:$0x18A00] =	vst v63  }
0xcd: {  	_ =	swait.ge [sflag:s14], $0x4000  }
0xce: {  	[sflag:s14] =	ssyncset.done $0x0  }
0xcf: {  	[sflag:s14] =	ssyncadd.s32 $0xFFFFC000  }
0xd0: {  	_ =	swait.ge [sflag:s30], $0x4000  }
0xd1: {  	[sflag:s30] =	ssyncset.done $0x0  }
0xd2: {  	[sflag:s30] =	ssyncadd.s32 $0xFFFFC000  }
0xd3: {  	_ =	swait.ge [sflag:s30], $0x4000  }
0xd4: {  	[sflag:s30] =	ssyncset.done $0x0  }
0xd5: {  	[sflag:s30] =	ssyncadd.s32 $0xFFFFC000  }
0xd6: {  	_ =	swait.ge [sflag:s30], $0x4000  }
0xd7: {  	[sflag:s30] =	ssyncset.done $0x0  }
0xd8: {  	s22 =	simm.s32 $0x0;
	[sflag:s30] =	ssyncadd.s32 $0xFFFFC000  }
0xd9: {  	v0 =	vld [tilespmem:s22+$0x14820]  }
0xda: {  	v2 =	vld [tilespmem:s22+$0x10820];
	_ =	sdelay $0x1  }
0xdb: {  	s23 =	simm.s32 $0x200;
	v1 =	vld [tilespmem:s22+$0x10830]  }
.LBB2_8:
0xdc: {  	p0 =	sne.s32 s23, $0xFE00  }
.Ltmp3:
0xdd: {  	s24 =	sshra.s32 s23, $0x2;
	(pc) =	sbr.rel @p0 .LBB2_8-.Ltmp3, $4  }
0xde: {  	v3 =	vsel vm0, v0, v2;
	v0 =	vld [tilespmem:s24+$0x14820]  }
0xdf: {  	v2 =	vld [tilespmem:s24+$0x10820];
	[tilespmem:s22+$0xC820] =	vst v3  }
0xe0: {  	[tilespmem:s22+$0xC830] =	vst v1  }
0xe1: {  	s23 =	sadd.s32 $0x200, s23;
	s22 =	smov.u32 s24;
	v1 =	vld [tilespmem:s24+$0x10830]  }
0xe2: {  	_ =	sdelay $0x1  }
0xe3: {  	v0 =	vsel vm0, v0, v2  }
0xe4: {  	[tilespmem:s22+$0xC820] =	vst v0  }
0xe5: {  	[tilespmem:s22+$0xC830] =	vst v1  }
0xe6: {  	[hbm4b:s11+s3] =	stream.linear.scatter [tilespmem:s31], [sflag:$0x3], $0x4000, $0x38;
	[tilespmem:$0x18A00] =	vst v63  }
0xe7: {  	_ =	swait.ge [sflag:s14], $0x4000  }
0xe8: {  	[sflag:s14] =	ssyncset.done $0x0  }
0xe9: {  	[sflag:s14] =	ssyncadd.s32 $0xFFFFC000  }
0xea: {  	_ =	swait.ge [sflag:s18], $0x80  }
0xeb: {  	[sflag:s18] =	ssyncset.done $0x0  }
0xec: {  	[sflag:s18] =	ssyncadd.s32 $0xFFFFFF80  }
0xed: {  	_ =	swait.ge [sflag:s18], $0x80  }
0xee: {  	[sflag:s18] =	ssyncset.done $0x0  }
0xef: {  	[sflag:s18] =	ssyncadd.s32 $0xFFFFFF80  }
0xf0: {  	_ =	swait.ge [sflag:s18], $0x80  }
0xf1: {  	[sflag:s18] =	ssyncset.done $0x0  }
0xf2: {  	[sflag:s18] =	ssyncadd.s32 $0xFFFFFF80  }
0xf3: {  	s21 =	sadd.s32 $0x1, s21;
	_ =	swait.ge [sflag:s18], $0x80  }
0xf4: {  	p0 =	sne.s32 s21, s13;
	[sflag:s18] =	ssyncset.done $0x0  }
.Ltmp4:
0xf5: {  	[sflag:s18] =	ssyncadd.s32 $0xFFFFFF80;
	(pc) =	sbr.rel @p0 .LBB2_1-.Ltmp4, $4  }
0xf6: {  	[hbm4b:s12+s3] =	stream.linear.scatter [tilespmem:s19], [sflag:$0x3], $0x200, $0x38;
	[tilespmem:$0x18A00] =	vst v63  }
0xf7: {  	_ =	swait.ge [sflag:s14], $0x200  }
0xf8: {  	[sflag:s14] =	ssyncset.done $0x0  }
0xf9: {  	[sflag:s14] =	ssyncadd.s32 $0xFFFFFE00  }
0xfa: {  	_ =	sfence.sel $0x180000  }
0xfb: {  	[bflag:$0x0] =	sbarrier.arrive $0xFFFF  }
0xfc: {  	_ =	strace $0x90000047  }
0xfd: {  	s0 =	stileid.u32;
	[bflag:$0x2] =	sbarrier.arrive $0xFFFF  }
0xfe: {  	p0 =	sne.s32 s0, $0x0;
	s0 =	rddreg [dreg:$0x6]  }
0xff: {  	s0 =	sadd.s32 @!p0 $0x100000, s0  }
0x100: {  	[sflag:s0] =	ssyncadd.tile.s32 @!p0 $0x1;
	_ =	shalt  }
.Lfunc_end2:
_tile_overlayer_lowered:
.L_overlay_start_2:
0x101: {  	(tag) =	ssettag $0x2  }
0x102: {  	s0 =	rddreg [dreg:$0x0];
	s2 =	stileid.u32  }
0x103: {  	s1 =	rddreg [dreg:$0x1];
	p0 =	sne.s32 s2, $0x0  }
0x104: {  	s3 =	rddreg [dreg:$0x2];
	[bflag:$0x3] =	sbarrier.arrive $0xFFFF;
	s2 =	simm.s32 @!p0 $0x1C03  }
0x105: {  	[timem:s3], [sflag:s2] =	dma.local @!p0 [hbm:s0], s1  }
0x106: {  	s0 =	simm.s32 @!p0 $0x3  }
0x107: {  	_ =	swait.ge @!p0 [sflag:s0], s1  }
0x108: {  	s1 =	ssub.s32 @!p0 $0x0, s1;
	[sflag:s0] =	ssyncset.done @!p0 $0x0  }
0x109: {  	[sflag:s0] =	ssyncadd.s32 @!p0 s1  }
0x10a: {  	[bflag:$0x3] =	sbarrier.arrive $0xFFFF  }
0x10b: {  	_ =	shalt  }

</sc_bundles>
